<compile_context>
chip_gen: v7x
topology: tpu7x:2x2x1
jax: 0.10.2.dev20260603
libtpu: 0.0.44.dev20260713+nightly
codegen_flags: <defaults>
</compile_context>

<pallas_src>
import jax
import jax.numpy as jnp
from jax import lax
from jax.experimental import pallas as pl
from jax.experimental.pallas import tpu as pltpu
from jax.experimental.pallas import tpu_sc as plsc

_SEQ = 2048
_BATCH = 4
_D = 128
_NC = 2
_NS = 16
_NW = _NC * _NS
_PPW = _SEQ // _NW
_CH = _PPW
_NCH = _BATCH
_NP = _BATCH // 2
_L = 16


def _emb_body(ids_hbm, pos_hbm, tab_hbm, out_hbm, idx_v, rows_v, pos_v,
              psem, gsems, osems):
    wid = lax.axis_index("s") * _NC + lax.axis_index("c")
    pos_base = wid * _PPW

    pdesc = pltpu.async_copy(pos_hbm.at[pl.ds(pos_base, _PPW)], pos_v, psem)

    gdescs = []
    for p in range(_NP):
        for h in range(2):
            pltpu.sync_copy(ids_hbm.at[2 * p + h, pl.ds(pos_base, _CH)],
                            idx_v.at[p, pl.ds(h * _CH, _CH)])
        gdescs.append(
            pltpu.async_copy(tab_hbm.at[idx_v.at[p]], rows_v.at[p],
                             gsems.at[p]))
    pdesc.wait()

    odescs = []
    for p in range(_NP):
        gdescs[p].wait()

        def _make_add(p):
            def add_row(r):
                for c in range(_D // _L):
                    sl = pl.ds(c * _L, _L)
                    pv = pos_v[r, sl]
                    plsc.addupdate(rows_v.at[p, r, sl], pv)
                    plsc.addupdate(rows_v.at[p, _CH + r, sl], pv)
            return add_row
        plsc.parallel_loop(0, _CH)(_make_add(p))
        for h in range(2):
            odescs.append(
                pltpu.async_copy(rows_v.at[p, pl.ds(h * _CH, _CH)],
                                 out_hbm.at[2 * p + h,
                                            pl.ds(pos_base, _CH)],
                                 osems.at[p]))
    for d in odescs:
        d.wait()


@jax.jit
def _emb_call(ids, token_embedding, position_embedding):
    mesh = plsc.VectorSubcoreMesh(core_axis_name="c", subcore_axis_name="s")
    run = pl.kernel(
        _emb_body,
        out_type=jax.ShapeDtypeStruct((_BATCH, _SEQ, _D), jnp.float32),
        mesh=mesh,
        scratch_types=[
            pltpu.VMEM((_NP, 2 * _CH), jnp.int32),
            pltpu.VMEM((_NP, 2 * _CH, _D), jnp.float32),
            pltpu.VMEM((_PPW, _D), jnp.float32),
            pltpu.SemaphoreType.DMA,
            pltpu.SemaphoreType.DMA((_NP,)),
            pltpu.SemaphoreType.DMA((_NP,)),
        ],
    )
    return run(ids, position_embedding, token_embedding)


def kernel(token_ids, token_embedding, position_embedding):
    return _emb_call(token_ids.astype(jnp.int32), token_embedding,
                     position_embedding)

# --- scband reference (transcript-rebuilt; emitter-appended) ---
"""Pipeline reference for scband-gptinput-embedding-20246475833759 (READ-ONLY COPY).

The authoritative reference and input builder live on the scoring server;
editing this copy changes nothing except your own understanding.
"""

import jax, jax.numpy as jnp
import numpy as np

VOCAB_SIZE = 100000
BLOCK_SIZE = 2048
N_EMBD = 128
BATCH = 4
SEQ_LEN = 2048


def setup_inputs(seed: int = 0) -> dict:
    key = jax.random.key(seed)
    k1, k2, k3 = jax.random.split(key, 3)
    token_ids = jax.random.randint(k1, (BATCH, SEQ_LEN), 0, VOCAB_SIZE, dtype=jnp.int64 if jax.config.jax_enable_x64 else jnp.int32)
    token_embedding = jax.random.normal(k2, (VOCAB_SIZE, N_EMBD), dtype=jnp.float32) * 0.02
    position_embedding = jax.random.normal(k3, (BLOCK_SIZE, N_EMBD), dtype=jnp.float32) * 0.02
    return {
        "token_ids": token_ids,
        "token_embedding": token_embedding,
        "position_embedding": position_embedding,
    }


def reference(token_ids, token_embedding, position_embedding):
    # Faithful translation of GPTInputEmbedding.forward with positional_strategy='learned'
    # and position_offset=0.
    seq_len = token_ids.shape[1]
    position_ids = jnp.arange(0, seq_len)
    token_embeddings = jnp.take(token_embedding, token_ids, axis=0)
    position_embeddings = jnp.take(position_embedding, position_ids, axis=0)[None, :, :]
    return token_embeddings + position_embeddings

if __name__ == "__main__":
    import jax
    _d = setup_inputs()
    print(jax.jit(kernel)(*tuple(_d.values())))

</pallas_src>

<mosaic_0001>
#map = affine_map<(d0, d1) -> (0, 0)>
#map1 = affine_map<(d0, d1) -> (0, 0, 0)>
module attributes {stable_mosaic.version = 14 : i64} {
  func.func @_emb_body(%arg0: i32, %arg1: i32, %arg2: memref<4x2048xi32, #tpu.memory_space<hbm>>, %arg3: memref<2048x128xf32, #tpu.memory_space<hbm>>, %arg4: memref<100000x128xf32, #tpu.memory_space<hbm>>, %arg5: memref<4x2048x128xf32, #tpu.memory_space<hbm>>, %arg6: memref<2x128xi32, #tpu.memory_space<vmem>>, %arg7: memref<2x128x128xf32, #tpu.memory_space<vmem>>, %arg8: memref<64x128xf32, #tpu.memory_space<vmem>>, %arg9: memref<!tpu.dma_semaphore, #tpu.memory_space<semaphore_mem>>, %arg10: memref<2x!tpu.dma_semaphore, #tpu.memory_space<semaphore_mem>>, %arg11: memref<2x!tpu.dma_semaphore, #tpu.memory_space<semaphore_mem>>) attributes {dimension_semantics = [#tpu.dimension_semantics<core_parallel>, #tpu.dimension_semantics<subcore_parallel>], iteration_bounds = array<i64: 2, 16>, scalar_prefetch = 0 : i64, scratch_operands = 6 : i64, tpu.core_type = #tpu.core_type<sc_vector_subcore>, window_params = [{transform_indices = #map}, {transform_indices = #map}, {transform_indices = #map}, {transform_indices = #map1}]} {
    %mul3A = arith.constant 2 : i32
    %mul3A_0 = arith.muli %arg1, %mul3A : i32
    %add3A = arith.addi %mul3A_0, %arg0 : i32
    %mul3A_1 = arith.constant 64 : i32
    %mul3A_2 = arith.muli %add3A, %mul3A_1 : i32
    %dma_start3A = arith.constant 0 : i32
    %dma_start3A_3 = tpu.memref_slice %arg3[%mul3A_2, %dma_start3A] : memref<2048x128xf32, #tpu.memory_space<hbm>> -> memref<64x128xf32, #tpu.memory_space<hbm>>
    %dma_start3A_4 = arith.constant 0 : i32
    %dma_start3A_5 = tpu.memref_slice %arg3[%mul3A_2, %dma_start3A_4] : memref<2048x128xf32, #tpu.memory_space<hbm>> -> memref<64x128xf32, #tpu.memory_space<hbm>>
    tpu.enqueue_dma source(%dma_start3A_5 : memref<64x128xf32, #tpu.memory_space<hbm>>) target(%arg8 : memref<64x128xf32, #tpu.memory_space<vmem>>) target_semaphore(%arg9 : memref<!tpu.dma_semaphore, #tpu.memory_space<semaphore_mem>>)
    %run_scoped3A = arith.constant 0 : i32
    %run_scoped3A_6 = arith.constant 0 : i32
    "tpu.region"() ({
      %run_scoped3A_233 = tpu.sem_alloc : memref<!tpu.dma_semaphore, #tpu.memory_space<semaphore_mem>>
      %dma_start3A_234 = arith.constant 0 : i32
      %dma_start3A_235 = tpu.memref_slice %arg6[%run_scoped3A_6, %dma_start3A_234] : memref<2x128xi32, #tpu.memory_space<vmem>> -> memref<1x64xi32, #tpu.memory_space<vmem>>
      %dma_start3A_236 = tpu.memref_squeeze %dma_start3A_235 : memref<1x64xi32, #tpu.memory_space<vmem>> -> memref<64xi32, #tpu.memory_space<vmem>>
      %dma_start3A_237 = tpu.memref_slice %arg2[%run_scoped3A, %mul3A_2] : memref<4x2048xi32, #tpu.memory_space<hbm>> -> memref<1x64xi32, #tpu.memory_space<hbm>>
      %dma_start3A_238 = tpu.memref_squeeze %dma_start3A_237 : memref<1x64xi32, #tpu.memory_space<hbm>> -> memref<64xi32, #tpu.memory_space<hbm>>
      %dma_start3A_239 = arith.constant 0 : i32
      %dma_start3A_240 = tpu.memref_slice %arg6[%run_scoped3A_6, %dma_start3A_239] : memref<2x128xi32, #tpu.memory_space<vmem>> -> memref<1x64xi32, #tpu.memory_space<vmem>>
      %dma_start3A_241 = tpu.memref_squeeze %dma_start3A_240 : memref<1x64xi32, #tpu.memory_space<vmem>> -> memref<64xi32, #tpu.memory_space<vmem>>
      %dma_start3A_242 = tpu.memref_slice %arg2[%run_scoped3A, %mul3A_2] : memref<4x2048xi32, #tpu.memory_space<hbm>> -> memref<1x64xi32, #tpu.memory_space<hbm>>
      %dma_start3A_243 = tpu.memref_squeeze %dma_start3A_242 : memref<1x64xi32, #tpu.memory_space<hbm>> -> memref<64xi32, #tpu.memory_space<hbm>>
      tpu.enqueue_dma source(%dma_start3A_243 : memref<64xi32, #tpu.memory_space<hbm>>) target(%dma_start3A_241 : memref<64xi32, #tpu.memory_space<vmem>>) target_semaphore(%run_scoped3A_233 : memref<!tpu.dma_semaphore, #tpu.memory_space<semaphore_mem>>)
      %dma_wait3A_244 = arith.constant 0 : i32
      %dma_wait3A_245 = tpu.memref_slice %arg6[%run_scoped3A_6, %dma_wait3A_244] : memref<2x128xi32, #tpu.memory_space<vmem>> -> memref<1x64xi32, #tpu.memory_space<vmem>>
      %dma_wait3A_246 = tpu.memref_squeeze %dma_wait3A_245 : memref<1x64xi32, #tpu.memory_space<vmem>> -> memref<64xi32, #tpu.memory_space<vmem>>
      %dma_wait3A_247 = tpu.memref_slice %arg2[%run_scoped3A, %mul3A_2] : memref<4x2048xi32, #tpu.memory_space<hbm>> -> memref<1x64xi32, #tpu.memory_space<hbm>>
      %dma_wait3A_248 = tpu.memref_squeeze %dma_wait3A_247 : memref<1x64xi32, #tpu.memory_space<hbm>> -> memref<64xi32, #tpu.memory_space<hbm>>
      %dma_wait3A_249 = arith.constant 0 : i32
      %dma_wait3A_250 = tpu.memref_slice %arg6[%run_scoped3A_6, %dma_wait3A_249] : memref<2x128xi32, #tpu.memory_space<vmem>> -> memref<1x64xi32, #tpu.memory_space<vmem>>
      %dma_wait3A_251 = tpu.memref_squeeze %dma_wait3A_250 : memref<1x64xi32, #tpu.memory_space<vmem>> -> memref<64xi32, #tpu.memory_space<vmem>>
      %dma_wait3A_252 = tpu.memref_slice %arg2[%run_scoped3A, %mul3A_2] : memref<4x2048xi32, #tpu.memory_space<hbm>> -> memref<1x64xi32, #tpu.memory_space<hbm>>
      %dma_wait3A_253 = tpu.memref_squeeze %dma_wait3A_252 : memref<1x64xi32, #tpu.memory_space<hbm>> -> memref<64xi32, #tpu.memory_space<hbm>>
      tpu.wait_dma2 semaphore(%run_scoped3A_233 : memref<!tpu.dma_semaphore, #tpu.memory_space<semaphore_mem>>) src(%dma_wait3A_253 : memref<64xi32, #tpu.memory_space<hbm>>) dst(%dma_wait3A_251 : memref<64xi32, #tpu.memory_space<vmem>>)
      tpu.yield
    }) : () -> ()
    %run_scoped3A_7 = arith.constant 1 : i32
    %run_scoped3A_8 = arith.constant 0 : i32
    "tpu.region"() ({
      %run_scoped3A_233 = tpu.sem_alloc : memref<!tpu.dma_semaphore, #tpu.memory_space<semaphore_mem>>
      %dma_start3A_234 = arith.constant 64 : i32
      %dma_start3A_235 = tpu.memref_slice %arg6[%run_scoped3A_8, %dma_start3A_234] : memref<2x128xi32, #tpu.memory_space<vmem>> -> memref<1x64xi32, #tpu.memory_space<vmem>>
      %dma_start3A_236 = tpu.memref_squeeze %dma_start3A_235 : memref<1x64xi32, #tpu.memory_space<vmem>> -> memref<64xi32, #tpu.memory_space<vmem>>
      %dma_start3A_237 = tpu.memref_slice %arg2[%run_scoped3A_7, %mul3A_2] : memref<4x2048xi32, #tpu.memory_space<hbm>> -> memref<1x64xi32, #tpu.memory_space<hbm>>
      %dma_start3A_238 = tpu.memref_squeeze %dma_start3A_237 : memref<1x64xi32, #tpu.memory_space<hbm>> -> memref<64xi32, #tpu.memory_space<hbm>>
      %dma_start3A_239 = arith.constant 64 : i32
      %dma_start3A_240 = tpu.memref_slice %arg6[%run_scoped3A_8, %dma_start3A_239] : memref<2x128xi32, #tpu.memory_space<vmem>> -> memref<1x64xi32, #tpu.memory_space<vmem>>
      %dma_start3A_241 = tpu.memref_squeeze %dma_start3A_240 : memref<1x64xi32, #tpu.memory_space<vmem>> -> memref<64xi32, #tpu.memory_space<vmem>>
      %dma_start3A_242 = tpu.memref_slice %arg2[%run_scoped3A_7, %mul3A_2] : memref<4x2048xi32, #tpu.memory_space<hbm>> -> memref<1x64xi32, #tpu.memory_space<hbm>>
      %dma_start3A_243 = tpu.memref_squeeze %dma_start3A_242 : memref<1x64xi32, #tpu.memory_space<hbm>> -> memref<64xi32, #tpu.memory_space<hbm>>
      tpu.enqueue_dma source(%dma_start3A_243 : memref<64xi32, #tpu.memory_space<hbm>>) target(%dma_start3A_241 : memref<64xi32, #tpu.memory_space<vmem>>) target_semaphore(%run_scoped3A_233 : memref<!tpu.dma_semaphore, #tpu.memory_space<semaphore_mem>>)
      %dma_wait3A_244 = arith.constant 64 : i32
      %dma_wait3A_245 = tpu.memref_slice %arg6[%run_scoped3A_8, %dma_wait3A_244] : memref<2x128xi32, #tpu.memory_space<vmem>> -> memref<1x64xi32, #tpu.memory_space<vmem>>
      %dma_wait3A_246 = tpu.memref_squeeze %dma_wait3A_245 : memref<1x64xi32, #tpu.memory_space<vmem>> -> memref<64xi32, #tpu.memory_space<vmem>>
      %dma_wait3A_247 = tpu.memref_slice %arg2[%run_scoped3A_7, %mul3A_2] : memref<4x2048xi32, #tpu.memory_space<hbm>> -> memref<1x64xi32, #tpu.memory_space<hbm>>
      %dma_wait3A_248 = tpu.memref_squeeze %dma_wait3A_247 : memref<1x64xi32, #tpu.memory_space<hbm>> -> memref<64xi32, #tpu.memory_space<hbm>>
      %dma_wait3A_249 = arith.constant 64 : i32
      %dma_wait3A_250 = tpu.memref_slice %arg6[%run_scoped3A_8, %dma_wait3A_249] : memref<2x128xi32, #tpu.memory_space<vmem>> -> memref<1x64xi32, #tpu.memory_space<vmem>>
      %dma_wait3A_251 = tpu.memref_squeeze %dma_wait3A_250 : memref<1x64xi32, #tpu.memory_space<vmem>> -> memref<64xi32, #tpu.memory_space<vmem>>
      %dma_wait3A_252 = tpu.memref_slice %arg2[%run_scoped3A_7, %mul3A_2] : memref<4x2048xi32, #tpu.memory_space<hbm>> -> memref<1x64xi32, #tpu.memory_space<hbm>>
      %dma_wait3A_253 = tpu.memref_squeeze %dma_wait3A_252 : memref<1x64xi32, #tpu.memory_space<hbm>> -> memref<64xi32, #tpu.memory_space<hbm>>
      tpu.wait_dma2 semaphore(%run_scoped3A_233 : memref<!tpu.dma_semaphore, #tpu.memory_space<semaphore_mem>>) src(%dma_wait3A_253 : memref<64xi32, #tpu.memory_space<hbm>>) dst(%dma_wait3A_251 : memref<64xi32, #tpu.memory_space<vmem>>)
      tpu.yield
    }) : () -> ()
    %dma_start3A_9 = arith.constant 0 : i32
    %dma_start3A_10 = arith.constant 0 : i32
    %dma_start3A_11 = arith.constant 0 : i32
    %dma_start3A_12 = arith.constant 0 : i32
    %dma_start3A_13 = arith.constant 0 : i32
    %dma_start3A_14 = tpu.memref_slice %arg7[%dma_start3A_10, %dma_start3A_12, %dma_start3A_13] : memref<2x128x128xf32, #tpu.memory_space<vmem>> -> memref<1x128x128xf32, #tpu.memory_space<vmem>>
    %dma_start3A_15 = tpu.memref_squeeze %dma_start3A_14 : memref<1x128x128xf32, #tpu.memory_space<vmem>> -> memref<128x128xf32, #tpu.memory_space<vmem>>
    %dma_start3A_16 = arith.constant 0 : i32
    %dma_start3A_17 = tpu.memref_slice %arg6[%dma_start3A_9, %dma_start3A_16] : memref<2x128xi32, #tpu.memory_space<vmem>> -> memref<1x128xi32, #tpu.memory_space<vmem>>
    %dma_start3A_18 = tpu.memref_squeeze %dma_start3A_17 : memref<1x128xi32, #tpu.memory_space<vmem>> -> memref<128xi32, #tpu.memory_space<vmem>>
    %dma_start3A_19 = arith.constant 0 : i32
    %dma_start3A_20 = arith.constant 0 : i32
    %dma_start3A_21 = tpu.memref_slice %arg4[%dma_start3A_19, %dma_start3A_20] : memref<100000x128xf32, #tpu.memory_space<hbm>> -> memref<100000x128xf32, #tpu.memory_space<hbm>>
    %dma_start3A_22 = tpu.memref_slice %arg10[%dma_start3A_11] : memref<2x!tpu.dma_semaphore, #tpu.memory_space<semaphore_mem>> -> memref<1x!tpu.dma_semaphore, #tpu.memory_space<semaphore_mem>>
    %dma_start3A_23 = tpu.memref_squeeze %dma_start3A_22 : memref<1x!tpu.dma_semaphore, #tpu.memory_space<semaphore_mem>> -> memref<!tpu.dma_semaphore, #tpu.memory_space<semaphore_mem>>
    tpu.enqueue_indirect_dma source(%dma_start3A_21 : memref<100000x128xf32, #tpu.memory_space<hbm>>) target(%dma_start3A_15 : memref<128x128xf32, #tpu.memory_space<vmem>>) offsets(%dma_start3A_18 : memref<128xi32, #tpu.memory_space<vmem>>) semaphore(%dma_start3A_23 : memref<!tpu.dma_semaphore, #tpu.memory_space<semaphore_mem>>)
    %run_scoped3A_24 = arith.constant 2 : i32
    %run_scoped3A_25 = arith.constant 1 : i32
    "tpu.region"() ({
      %run_scoped3A_233 = tpu.sem_alloc : memref<!tpu.dma_semaphore, #tpu.memory_space<semaphore_mem>>
      %dma_start3A_234 = arith.constant 0 : i32
      %dma_start3A_235 = tpu.memref_slice %arg6[%run_scoped3A_25, %dma_start3A_234] : memref<2x128xi32, #tpu.memory_space<vmem>> -> memref<1x64xi32, #tpu.memory_space<vmem>>
      %dma_start3A_236 = tpu.memref_squeeze %dma_start3A_235 : memref<1x64xi32, #tpu.memory_space<vmem>> -> memref<64xi32, #tpu.memory_space<vmem>>
      %dma_start3A_237 = tpu.memref_slice %arg2[%run_scoped3A_24, %mul3A_2] : memref<4x2048xi32, #tpu.memory_space<hbm>> -> memref<1x64xi32, #tpu.memory_space<hbm>>
      %dma_start3A_238 = tpu.memref_squeeze %dma_start3A_237 : memref<1x64xi32, #tpu.memory_space<hbm>> -> memref<64xi32, #tpu.memory_space<hbm>>
      %dma_start3A_239 = arith.constant 0 : i32
      %dma_start3A_240 = tpu.memref_slice %arg6[%run_scoped3A_25, %dma_start3A_239] : memref<2x128xi32, #tpu.memory_space<vmem>> -> memref<1x64xi32, #tpu.memory_space<vmem>>
      %dma_start3A_241 = tpu.memref_squeeze %dma_start3A_240 : memref<1x64xi32, #tpu.memory_space<vmem>> -> memref<64xi32, #tpu.memory_space<vmem>>
      %dma_start3A_242 = tpu.memref_slice %arg2[%run_scoped3A_24, %mul3A_2] : memref<4x2048xi32, #tpu.memory_space<hbm>> -> memref<1x64xi32, #tpu.memory_space<hbm>>
      %dma_start3A_243 = tpu.memref_squeeze %dma_start3A_242 : memref<1x64xi32, #tpu.memory_space<hbm>> -> memref<64xi32, #tpu.memory_space<hbm>>
      tpu.enqueue_dma source(%dma_start3A_243 : memref<64xi32, #tpu.memory_space<hbm>>) target(%dma_start3A_241 : memref<64xi32, #tpu.memory_space<vmem>>) target_semaphore(%run_scoped3A_233 : memref<!tpu.dma_semaphore, #tpu.memory_space<semaphore_mem>>)
      %dma_wait3A_244 = arith.constant 0 : i32
      %dma_wait3A_245 = tpu.memref_slice %arg6[%run_scoped3A_25, %dma_wait3A_244] : memref<2x128xi32, #tpu.memory_space<vmem>> -> memref<1x64xi32, #tpu.memory_space<vmem>>
      %dma_wait3A_246 = tpu.memref_squeeze %dma_wait3A_245 : memref<1x64xi32, #tpu.memory_space<vmem>> -> memref<64xi32, #tpu.memory_space<vmem>>
      %dma_wait3A_247 = tpu.memref_slice %arg2[%run_scoped3A_24, %mul3A_2] : memref<4x2048xi32, #tpu.memory_space<hbm>> -> memref<1x64xi32, #tpu.memory_space<hbm>>
      %dma_wait3A_248 = tpu.memref_squeeze %dma_wait3A_247 : memref<1x64xi32, #tpu.memory_space<hbm>> -> memref<64xi32, #tpu.memory_space<hbm>>
      %dma_wait3A_249 = arith.constant 0 : i32
      %dma_wait3A_250 = tpu.memref_slice %arg6[%run_scoped3A_25, %dma_wait3A_249] : memref<2x128xi32, #tpu.memory_space<vmem>> -> memref<1x64xi32, #tpu.memory_space<vmem>>
      %dma_wait3A_251 = tpu.memref_squeeze %dma_wait3A_250 : memref<1x64xi32, #tpu.memory_space<vmem>> -> memref<64xi32, #tpu.memory_space<vmem>>
      %dma_wait3A_252 = tpu.memref_slice %arg2[%run_scoped3A_24, %mul3A_2] : memref<4x2048xi32, #tpu.memory_space<hbm>> -> memref<1x64xi32, #tpu.memory_space<hbm>>
      %dma_wait3A_253 = tpu.memref_squeeze %dma_wait3A_252 : memref<1x64xi32, #tpu.memory_space<hbm>> -> memref<64xi32, #tpu.memory_space<hbm>>
      tpu.wait_dma2 semaphore(%run_scoped3A_233 : memref<!tpu.dma_semaphore, #tpu.memory_space<semaphore_mem>>) src(%dma_wait3A_253 : memref<64xi32, #tpu.memory_space<hbm>>) dst(%dma_wait3A_251 : memref<64xi32, #tpu.memory_space<vmem>>)
      tpu.yield
    }) : () -> ()
    %run_scoped3A_26 = arith.constant 3 : i32
    %run_scoped3A_27 = arith.constant 1 : i32
    "tpu.region"() ({
      %run_scoped3A_233 = tpu.sem_alloc : memref<!tpu.dma_semaphore, #tpu.memory_space<semaphore_mem>>
      %dma_start3A_234 = arith.constant 64 : i32
      %dma_start3A_235 = tpu.memref_slice %arg6[%run_scoped3A_27, %dma_start3A_234] : memref<2x128xi32, #tpu.memory_space<vmem>> -> memref<1x64xi32, #tpu.memory_space<vmem>>
      %dma_start3A_236 = tpu.memref_squeeze %dma_start3A_235 : memref<1x64xi32, #tpu.memory_space<vmem>> -> memref<64xi32, #tpu.memory_space<vmem>>
      %dma_start3A_237 = tpu.memref_slice %arg2[%run_scoped3A_26, %mul3A_2] : memref<4x2048xi32, #tpu.memory_space<hbm>> -> memref<1x64xi32, #tpu.memory_space<hbm>>
      %dma_start3A_238 = tpu.memref_squeeze %dma_start3A_237 : memref<1x64xi32, #tpu.memory_space<hbm>> -> memref<64xi32, #tpu.memory_space<hbm>>
      %dma_start3A_239 = arith.constant 64 : i32
      %dma_start3A_240 = tpu.memref_slice %arg6[%run_scoped3A_27, %dma_start3A_239] : memref<2x128xi32, #tpu.memory_space<vmem>> -> memref<1x64xi32, #tpu.memory_space<vmem>>
      %dma_start3A_241 = tpu.memref_squeeze %dma_start3A_240 : memref<1x64xi32, #tpu.memory_space<vmem>> -> memref<64xi32, #tpu.memory_space<vmem>>
      %dma_start3A_242 = tpu.memref_slice %arg2[%run_scoped3A_26, %mul3A_2] : memref<4x2048xi32, #tpu.memory_space<hbm>> -> memref<1x64xi32, #tpu.memory_space<hbm>>
      %dma_start3A_243 = tpu.memref_squeeze %dma_start3A_242 : memref<1x64xi32, #tpu.memory_space<hbm>> -> memref<64xi32, #tpu.memory_space<hbm>>
      tpu.enqueue_dma source(%dma_start3A_243 : memref<64xi32, #tpu.memory_space<hbm>>) target(%dma_start3A_241 : memref<64xi32, #tpu.memory_space<vmem>>) target_semaphore(%run_scoped3A_233 : memref<!tpu.dma_semaphore, #tpu.memory_space<semaphore_mem>>)
      %dma_wait3A_244 = arith.constant 64 : i32
      %dma_wait3A_245 = tpu.memref_slice %arg6[%run_scoped3A_27, %dma_wait3A_244] : memref<2x128xi32, #tpu.memory_space<vmem>> -> memref<1x64xi32, #tpu.memory_space<vmem>>
      %dma_wait3A_246 = tpu.memref_squeeze %dma_wait3A_245 : memref<1x64xi32, #tpu.memory_space<vmem>> -> memref<64xi32, #tpu.memory_space<vmem>>
      %dma_wait3A_247 = tpu.memref_slice %arg2[%run_scoped3A_26, %mul3A_2] : memref<4x2048xi32, #tpu.memory_space<hbm>> -> memref<1x64xi32, #tpu.memory_space<hbm>>
      %dma_wait3A_248 = tpu.memref_squeeze %dma_wait3A_247 : memref<1x64xi32, #tpu.memory_space<hbm>> -> memref<64xi32, #tpu.memory_space<hbm>>
      %dma_wait3A_249 = arith.constant 64 : i32
      %dma_wait3A_250 = tpu.memref_slice %arg6[%run_scoped3A_27, %dma_wait3A_249] : memref<2x128xi32, #tpu.memory_space<vmem>> -> memref<1x64xi32, #tpu.memory_space<vmem>>
      %dma_wait3A_251 = tpu.memref_squeeze %dma_wait3A_250 : memref<1x64xi32, #tpu.memory_space<vmem>> -> memref<64xi32, #tpu.memory_space<vmem>>
      %dma_wait3A_252 = tpu.memref_slice %arg2[%run_scoped3A_26, %mul3A_2] : memref<4x2048xi32, #tpu.memory_space<hbm>> -> memref<1x64xi32, #tpu.memory_space<hbm>>
      %dma_wait3A_253 = tpu.memref_squeeze %dma_wait3A_252 : memref<1x64xi32, #tpu.memory_space<hbm>> -> memref<64xi32, #tpu.memory_space<hbm>>
      tpu.wait_dma2 semaphore(%run_scoped3A_233 : memref<!tpu.dma_semaphore, #tpu.memory_space<semaphore_mem>>) src(%dma_wait3A_253 : memref<64xi32, #tpu.memory_space<hbm>>) dst(%dma_wait3A_251 : memref<64xi32, #tpu.memory_space<vmem>>)
      tpu.yield
    }) : () -> ()
    %dma_start3A_28 = arith.constant 1 : i32
    %dma_start3A_29 = arith.constant 1 : i32
    %dma_start3A_30 = arith.constant 1 : i32
    %dma_start3A_31 = arith.constant 0 : i32
    %dma_start3A_32 = arith.constant 0 : i32
    %dma_start3A_33 = tpu.memref_slice %arg7[%dma_start3A_29, %dma_start3A_31, %dma_start3A_32] : memref<2x128x128xf32, #tpu.memory_space<vmem>> -> memref<1x128x128xf32, #tpu.memory_space<vmem>>
    %dma_start3A_34 = tpu.memref_squeeze %dma_start3A_33 : memref<1x128x128xf32, #tpu.memory_space<vmem>> -> memref<128x128xf32, #tpu.memory_space<vmem>>
    %dma_start3A_35 = arith.constant 0 : i32
    %dma_start3A_36 = tpu.memref_slice %arg6[%dma_start3A_28, %dma_start3A_35] : memref<2x128xi32, #tpu.memory_space<vmem>> -> memref<1x128xi32, #tpu.memory_space<vmem>>
    %dma_start3A_37 = tpu.memref_squeeze %dma_start3A_36 : memref<1x128xi32, #tpu.memory_space<vmem>> -> memref<128xi32, #tpu.memory_space<vmem>>
    %dma_start3A_38 = arith.constant 0 : i32
    %dma_start3A_39 = arith.constant 0 : i32
    %dma_start3A_40 = tpu.memref_slice %arg4[%dma_start3A_38, %dma_start3A_39] : memref<100000x128xf32, #tpu.memory_space<hbm>> -> memref<100000x128xf32, #tpu.memory_space<hbm>>
    %dma_start3A_41 = tpu.memref_slice %arg10[%dma_start3A_30] : memref<2x!tpu.dma_semaphore, #tpu.memory_space<semaphore_mem>> -> memref<1x!tpu.dma_semaphore, #tpu.memory_space<semaphore_mem>>
    %dma_start3A_42 = tpu.memref_squeeze %dma_start3A_41 : memref<1x!tpu.dma_semaphore, #tpu.memory_space<semaphore_mem>> -> memref<!tpu.dma_semaphore, #tpu.memory_space<semaphore_mem>>
    tpu.enqueue_indirect_dma source(%dma_start3A_40 : memref<100000x128xf32, #tpu.memory_space<hbm>>) target(%dma_start3A_34 : memref<128x128xf32, #tpu.memory_space<vmem>>) offsets(%dma_start3A_37 : memref<128xi32, #tpu.memory_space<vmem>>) semaphore(%dma_start3A_42 : memref<!tpu.dma_semaphore, #tpu.memory_space<semaphore_mem>>)
    %dma_wait3A = arith.constant 0 : i32
    %dma_wait3A_43 = tpu.memref_slice %arg3[%mul3A_2, %dma_wait3A] : memref<2048x128xf32, #tpu.memory_space<hbm>> -> memref<64x128xf32, #tpu.memory_space<hbm>>
    %dma_wait3A_44 = arith.constant 0 : i32
    %dma_wait3A_45 = tpu.memref_slice %arg3[%mul3A_2, %dma_wait3A_44] : memref<2048x128xf32, #tpu.memory_space<hbm>> -> memref<64x128xf32, #tpu.memory_space<hbm>>
    tpu.wait_dma2 semaphore(%arg9 : memref<!tpu.dma_semaphore, #tpu.memory_space<semaphore_mem>>) src(%dma_wait3A_45 : memref<64x128xf32, #tpu.memory_space<hbm>>) dst(%arg8 : memref<64x128xf32, #tpu.memory_space<vmem>>)
    %dma_wait3A_46 = arith.constant 0 : i32
    %dma_wait3A_47 = arith.constant 0 : i32
    %dma_wait3A_48 = arith.constant 0 : i32
    %dma_wait3A_49 = arith.constant 0 : i32
    %dma_wait3A_50 = arith.constant 0 : i32
    %dma_wait3A_51 = tpu.memref_slice %arg7[%dma_wait3A_47, %dma_wait3A_49, %dma_wait3A_50] : memref<2x128x128xf32, #tpu.memory_space<vmem>> -> memref<1x128x128xf32, #tpu.memory_space<vmem>>
    %dma_wait3A_52 = tpu.memref_squeeze %dma_wait3A_51 : memref<1x128x128xf32, #tpu.memory_space<vmem>> -> memref<128x128xf32, #tpu.memory_space<vmem>>
    %dma_wait3A_53 = arith.constant 0 : i32
    %dma_wait3A_54 = tpu.memref_slice %arg6[%dma_wait3A_46, %dma_wait3A_53] : memref<2x128xi32, #tpu.memory_space<vmem>> -> memref<1x128xi32, #tpu.memory_space<vmem>>
    %dma_wait3A_55 = tpu.memref_squeeze %dma_wait3A_54 : memref<1x128xi32, #tpu.memory_space<vmem>> -> memref<128xi32, #tpu.memory_space<vmem>>
    %dma_wait3A_56 = arith.constant 0 : i32
    %dma_wait3A_57 = arith.constant 0 : i32
    %dma_wait3A_58 = tpu.memref_slice %arg4[%dma_wait3A_56, %dma_wait3A_57] : memref<100000x128xf32, #tpu.memory_space<hbm>> -> memref<100000x128xf32, #tpu.memory_space<hbm>>
    %dma_wait3A_59 = tpu.memref_slice %arg10[%dma_wait3A_48] : memref<2x!tpu.dma_semaphore, #tpu.memory_space<semaphore_mem>> -> memref<1x!tpu.dma_semaphore, #tpu.memory_space<semaphore_mem>>
    %dma_wait3A_60 = tpu.memref_squeeze %dma_wait3A_59 : memref<1x!tpu.dma_semaphore, #tpu.memory_space<semaphore_mem>> -> memref<!tpu.dma_semaphore, #tpu.memory_space<semaphore_mem>>
    tpu.wait_indirect_dma semaphore(%dma_wait3A_60 : memref<!tpu.dma_semaphore, #tpu.memory_space<semaphore_mem>>) src(%dma_wait3A_58 : memref<100000x128xf32, #tpu.memory_space<hbm>>) dst(%dma_wait3A_52 : memref<128x128xf32, #tpu.memory_space<vmem>>)
    %parallel_loop3A = arith.constant 0 : i32
    %parallel_loop3A_61 = arith.constant 64 : i32
    %parallel_loop3A_62 = arith.constant 1 : i32
    scf.for %parallel_loop3A_233 = %parallel_loop3A to %parallel_loop3A_61 step %parallel_loop3A_62  : i32 {
      %parallel_loop3A_234 = arith.index_cast %parallel_loop3A_233 : i32 to index
      %parallel_loop3A_235 = arith.constant 0 : index
      %parallel_loop3A_236 = tpu.vector_load %arg8[%parallel_loop3A_234, %parallel_loop3A_235] {strides = array<i32>} : memref<64x128xf32, #tpu.memory_space<vmem>>, vector<1x16xf32>,
      %parallel_loop3A_237 = vector.shape_cast %parallel_loop3A_236 : vector<1x16xf32> to vector<16xf32>
      %parallel_loop3A_238 = arith.constant 0 : i32
      %parallel_loop3A_239 = arith.index_cast %parallel_loop3A_238 : i32 to index
      %parallel_loop3A_240 = arith.index_cast %parallel_loop3A_233 : i32 to index
      %parallel_loop3A_241 = arith.constant 0 : index
      %parallel_loop3A_242 = tpu.vector_load %arg7[%parallel_loop3A_239, %parallel_loop3A_240, %parallel_loop3A_241] {strides = array<i32>} : memref<2x128x128xf32, #tpu.memory_space<vmem>>, vector<1x1x16xf32>,
      %parallel_loop3A_243 = vector.shape_cast %parallel_loop3A_242 : vector<1x1x16xf32> to vector<16xf32>
      %parallel_loop3A_244 = vector.shape_cast %parallel_loop3A_237 : vector<16xf32> to vector<1x1x16xf32>
      tpu.vector_store %arg7[%parallel_loop3A_239, %parallel_loop3A_240, %parallel_loop3A_241], %parallel_loop3A_244 {add = true, strides = array<i32>} : memref<2x128x128xf32, #tpu.memory_space<vmem>>, vector<1x1x16xf32>,
      %parallel_loop3A_245 = arith.constant 64 : i32
      %parallel_loop3A_246 = arith.addi %parallel_loop3A_245, %parallel_loop3A_233 : i32
      %parallel_loop3A_247 = arith.constant 0 : i32
      %parallel_loop3A_248 = arith.index_cast %parallel_loop3A_247 : i32 to index
      %parallel_loop3A_249 = arith.index_cast %parallel_loop3A_246 : i32 to index
      %parallel_loop3A_250 = arith.constant 0 : index
      %parallel_loop3A_251 = tpu.vector_load %arg7[%parallel_loop3A_248, %parallel_loop3A_249, %parallel_loop3A_250] {strides = array<i32>} : memref<2x128x128xf32, #tpu.memory_space<vmem>>, vector<1x1x16xf32>,
      %parallel_loop3A_252 = vector.shape_cast %parallel_loop3A_251 : vector<1x1x16xf32> to vector<16xf32>
      %parallel_loop3A_253 = vector.shape_cast %parallel_loop3A_237 : vector<16xf32> to vector<1x1x16xf32>
      tpu.vector_store %arg7[%parallel_loop3A_248, %parallel_loop3A_249, %parallel_loop3A_250], %parallel_loop3A_253 {add = true, strides = array<i32>} : memref<2x128x128xf32, #tpu.memory_space<vmem>>, vector<1x1x16xf32>,
      %parallel_loop3A_254 = arith.index_cast %parallel_loop3A_233 : i32 to index
      %parallel_loop3A_255 = arith.constant 16 : index
      %parallel_loop3A_256 = tpu.vector_load %arg8[%parallel_loop3A_254, %parallel_loop3A_255] {strides = array<i32>} : memref<64x128xf32, #tpu.memory_space<vmem>>, vector<1x16xf32>,
      %parallel_loop3A_257 = vector.shape_cast %parallel_loop3A_256 : vector<1x16xf32> to vector<16xf32>
      %parallel_loop3A_258 = arith.constant 0 : i32
      %parallel_loop3A_259 = arith.index_cast %parallel_loop3A_258 : i32 to index
      %parallel_loop3A_260 = arith.index_cast %parallel_loop3A_233 : i32 to index
      %parallel_loop3A_261 = arith.constant 16 : index
      %parallel_loop3A_262 = tpu.vector_load %arg7[%parallel_loop3A_259, %parallel_loop3A_260, %parallel_loop3A_261] {strides = array<i32>} : memref<2x128x128xf32, #tpu.memory_space<vmem>>, vector<1x1x16xf32>,
      %parallel_loop3A_263 = vector.shape_cast %parallel_loop3A_262 : vector<1x1x16xf32> to vector<16xf32>
      %parallel_loop3A_264 = vector.shape_cast %parallel_loop3A_257 : vector<16xf32> to vector<1x1x16xf32>
      tpu.vector_store %arg7[%parallel_loop3A_259, %parallel_loop3A_260, %parallel_loop3A_261], %parallel_loop3A_264 {add = true, strides = array<i32>} : memref<2x128x128xf32, #tpu.memory_space<vmem>>, vector<1x1x16xf32>,
      %parallel_loop3A_265 = arith.constant 64 : i32
      %parallel_loop3A_266 = arith.addi %parallel_loop3A_265, %parallel_loop3A_233 : i32
      %parallel_loop3A_267 = arith.constant 0 : i32
      %parallel_loop3A_268 = arith.index_cast %parallel_loop3A_267 : i32 to index
      %parallel_loop3A_269 = arith.index_cast %parallel_loop3A_266 : i32 to index
      %parallel_loop3A_270 = arith.constant 16 : index
      %parallel_loop3A_271 = tpu.vector_load %arg7[%parallel_loop3A_268, %parallel_loop3A_269, %parallel_loop3A_270] {strides = array<i32>} : memref<2x128x128xf32, #tpu.memory_space<vmem>>, vector<1x1x16xf32>,
      %parallel_loop3A_272 = vector.shape_cast %parallel_loop3A_271 : vector<1x1x16xf32> to vector<16xf32>
      %parallel_loop3A_273 = vector.shape_cast %parallel_loop3A_257 : vector<16xf32> to vector<1x1x16xf32>
      tpu.vector_store %arg7[%parallel_loop3A_268, %parallel_loop3A_269, %parallel_loop3A_270], %parallel_loop3A_273 {add = true, strides = array<i32>} : memref<2x128x128xf32, #tpu.memory_space<vmem>>, vector<1x1x16xf32>,
      %parallel_loop3A_274 = arith.index_cast %parallel_loop3A_233 : i32 to index
      %parallel_loop3A_275 = arith.constant 32 : index
      %parallel_loop3A_276 = tpu.vector_load %arg8[%parallel_loop3A_274, %parallel_loop3A_275] {strides = array<i32>} : memref<64x128xf32, #tpu.memory_space<vmem>>, vector<1x16xf32>,
      %parallel_loop3A_277 = vector.shape_cast %parallel_loop3A_276 : vector<1x16xf32> to vector<16xf32>
      %parallel_loop3A_278 = arith.constant 0 : i32
      %parallel_loop3A_279 = arith.index_cast %parallel_loop3A_278 : i32 to index
      %parallel_loop3A_280 = arith.index_cast %parallel_loop3A_233 : i32 to index
      %parallel_loop3A_281 = arith.constant 32 : index
      %parallel_loop3A_282 = tpu.vector_load %arg7[%parallel_loop3A_279, %parallel_loop3A_280, %parallel_loop3A_281] {strides = array<i32>} : memref<2x128x128xf32, #tpu.memory_space<vmem>>, vector<1x1x16xf32>,
      %parallel_loop3A_283 = vector.shape_cast %parallel_loop3A_282 : vector<1x1x16xf32> to vector<16xf32>
      %parallel_loop3A_284 = vector.shape_cast %parallel_loop3A_277 : vector<16xf32> to vector<1x1x16xf32>
      tpu.vector_store %arg7[%parallel_loop3A_279, %parallel_loop3A_280, %parallel_loop3A_281], %parallel_loop3A_284 {add = true, strides = array<i32>} : memref<2x128x128xf32, #tpu.memory_space<vmem>>, vector<1x1x16xf32>,
      %parallel_loop3A_285 = arith.constant 64 : i32
      %parallel_loop3A_286 = arith.addi %parallel_loop3A_285, %parallel_loop3A_233 : i32
      %parallel_loop3A_287 = arith.constant 0 : i32
      %parallel_loop3A_288 = arith.index_cast %parallel_loop3A_287 : i32 to index
      %parallel_loop3A_289 = arith.index_cast %parallel_loop3A_286 : i32 to index
      %parallel_loop3A_290 = arith.constant 32 : index
      %parallel_loop3A_291 = tpu.vector_load %arg7[%parallel_loop3A_288, %parallel_loop3A_289, %parallel_loop3A_290] {strides = array<i32>} : memref<2x128x128xf32, #tpu.memory_space<vmem>>, vector<1x1x16xf32>,
      %parallel_loop3A_292 = vector.shape_cast %parallel_loop3A_291 : vector<1x1x16xf32> to vector<16xf32>
      %parallel_loop3A_293 = vector.shape_cast %parallel_loop3A_277 : vector<16xf32> to vector<1x1x16xf32>
      tpu.vector_store %arg7[%parallel_loop3A_288, %parallel_loop3A_289, %parallel_loop3A_290], %parallel_loop3A_293 {add = true, strides = array<i32>} : memref<2x128x128xf32, #tpu.memory_space<vmem>>, vector<1x1x16xf32>,
      %parallel_loop3A_294 = arith.index_cast %parallel_loop3A_233 : i32 to index
      %parallel_loop3A_295 = arith.constant 48 : index
      %parallel_loop3A_296 = tpu.vector_load %arg8[%parallel_loop3A_294, %parallel_loop3A_295] {strides = array<i32>} : memref<64x128xf32, #tpu.memory_space<vmem>>, vector<1x16xf32>,
      %parallel_loop3A_297 = vector.shape_cast %parallel_loop3A_296 : vector<1x16xf32> to vector<16xf32>
      %parallel_loop3A_298 = arith.constant 0 : i32
      %parallel_loop3A_299 = arith.index_cast %parallel_loop3A_298 : i32 to index
      %parallel_loop3A_300 = arith.index_cast %parallel_loop3A_233 : i32 to index
      %parallel_loop3A_301 = arith.constant 48 : index
      %parallel_loop3A_302 = tpu.vector_load %arg7[%parallel_loop3A_299, %parallel_loop3A_300, %parallel_loop3A_301] {strides = array<i32>} : memref<2x128x128xf32, #tpu.memory_space<vmem>>, vector<1x1x16xf32>,
      %parallel_loop3A_303 = vector.shape_cast %parallel_loop3A_302 : vector<1x1x16xf32> to vector<16xf32>
      %parallel_loop3A_304 = vector.shape_cast %parallel_loop3A_297 : vector<16xf32> to vector<1x1x16xf32>
      tpu.vector_store %arg7[%parallel_loop3A_299, %parallel_loop3A_300, %parallel_loop3A_301], %parallel_loop3A_304 {add = true, strides = array<i32>} : memref<2x128x128xf32, #tpu.memory_space<vmem>>, vector<1x1x16xf32>,
      %parallel_loop3A_305 = arith.constant 64 : i32
      %parallel_loop3A_306 = arith.addi %parallel_loop3A_305, %parallel_loop3A_233 : i32
      %parallel_loop3A_307 = arith.constant 0 : i32
      %parallel_loop3A_308 = arith.index_cast %parallel_loop3A_307 : i32 to index
      %parallel_loop3A_309 = arith.index_cast %parallel_loop3A_306 : i32 to index
      %parallel_loop3A_310 = arith.constant 48 : index
      %parallel_loop3A_311 = tpu.vector_load %arg7[%parallel_loop3A_308, %parallel_loop3A_309, %parallel_loop3A_310] {strides = array<i32>} : memref<2x128x128xf32, #tpu.memory_space<vmem>>, vector<1x1x16xf32>,
      %parallel_loop3A_312 = vector.shape_cast %parallel_loop3A_311 : vector<1x1x16xf32> to vector<16xf32>
      %parallel_loop3A_313 = vector.shape_cast %parallel_loop3A_297 : vector<16xf32> to vector<1x1x16xf32>
      tpu.vector_store %arg7[%parallel_loop3A_308, %parallel_loop3A_309, %parallel_loop3A_310], %parallel_loop3A_313 {add = true, strides = array<i32>} : memref<2x128x128xf32, #tpu.memory_space<vmem>>, vector<1x1x16xf32>,
      %parallel_loop3A_314 = arith.index_cast %parallel_loop3A_233 : i32 to index
      %parallel_loop3A_315 = arith.constant 64 : index
      %parallel_loop3A_316 = tpu.vector_load %arg8[%parallel_loop3A_314, %parallel_loop3A_315] {strides = array<i32>} : memref<64x128xf32, #tpu.memory_space<vmem>>, vector<1x16xf32>,
      %parallel_loop3A_317 = vector.shape_cast %parallel_loop3A_316 : vector<1x16xf32> to vector<16xf32>
      %parallel_loop3A_318 = arith.constant 0 : i32
      %parallel_loop3A_319 = arith.index_cast %parallel_loop3A_318 : i32 to index
      %parallel_loop3A_320 = arith.index_cast %parallel_loop3A_233 : i32 to index
      %parallel_loop3A_321 = arith.constant 64 : index
      %parallel_loop3A_322 = tpu.vector_load %arg7[%parallel_loop3A_319, %parallel_loop3A_320, %parallel_loop3A_321] {strides = array<i32>} : memref<2x128x128xf32, #tpu.memory_space<vmem>>, vector<1x1x16xf32>,
      %parallel_loop3A_323 = vector.shape_cast %parallel_loop3A_322 : vector<1x1x16xf32> to vector<16xf32>
      %parallel_loop3A_324 = vector.shape_cast %parallel_loop3A_317 : vector<16xf32> to vector<1x1x16xf32>
      tpu.vector_store %arg7[%parallel_loop3A_319, %parallel_loop3A_320, %parallel_loop3A_321], %parallel_loop3A_324 {add = true, strides = array<i32>} : memref<2x128x128xf32, #tpu.memory_space<vmem>>, vector<1x1x16xf32>,
      %parallel_loop3A_325 = arith.constant 64 : i32
      %parallel_loop3A_326 = arith.addi %parallel_loop3A_325, %parallel_loop3A_233 : i32
      %parallel_loop3A_327 = arith.constant 0 : i32
      %parallel_loop3A_328 = arith.index_cast %parallel_loop3A_327 : i32 to index
      %parallel_loop3A_329 = arith.index_cast %parallel_loop3A_326 : i32 to index
      %parallel_loop3A_330 = arith.constant 64 : index
      %parallel_loop3A_331 = tpu.vector_load %arg7[%parallel_loop3A_328, %parallel_loop3A_329, %parallel_loop3A_330] {strides = array<i32>} : memref<2x128x128xf32, #tpu.memory_space<vmem>>, vector<1x1x16xf32>,
      %parallel_loop3A_332 = vector.shape_cast %parallel_loop3A_331 : vector<1x1x16xf32> to vector<16xf32>
      %parallel_loop3A_333 = vector.shape_cast %parallel_loop3A_317 : vector<16xf32> to vector<1x1x16xf32>
      tpu.vector_store %arg7[%parallel_loop3A_328, %parallel_loop3A_329, %parallel_loop3A_330], %parallel_loop3A_333 {add = true, strides = array<i32>} : memref<2x128x128xf32, #tpu.memory_space<vmem>>, vector<1x1x16xf32>,
      %parallel_loop3A_334 = arith.index_cast %parallel_loop3A_233 : i32 to index
      %parallel_loop3A_335 = arith.constant 80 : index
      %parallel_loop3A_336 = tpu.vector_load %arg8[%parallel_loop3A_334, %parallel_loop3A_335] {strides = array<i32>} : memref<64x128xf32, #tpu.memory_space<vmem>>, vector<1x16xf32>,
      %parallel_loop3A_337 = vector.shape_cast %parallel_loop3A_336 : vector<1x16xf32> to vector<16xf32>
      %parallel_loop3A_338 = arith.constant 0 : i32
      %parallel_loop3A_339 = arith.index_cast %parallel_loop3A_338 : i32 to index
      %parallel_loop3A_340 = arith.index_cast %parallel_loop3A_233 : i32 to index
      %parallel_loop3A_341 = arith.constant 80 : index
      %parallel_loop3A_342 = tpu.vector_load %arg7[%parallel_loop3A_339, %parallel_loop3A_340, %parallel_loop3A_341] {strides = array<i32>} : memref<2x128x128xf32, #tpu.memory_space<vmem>>, vector<1x1x16xf32>,
      %parallel_loop3A_343 = vector.shape_cast %parallel_loop3A_342 : vector<1x1x16xf32> to vector<16xf32>
      %parallel_loop3A_344 = vector.shape_cast %parallel_loop3A_337 : vector<16xf32> to vector<1x1x16xf32>
      tpu.vector_store %arg7[%parallel_loop3A_339, %parallel_loop3A_340, %parallel_loop3A_341], %parallel_loop3A_344 {add = true, strides = array<i32>} : memref<2x128x128xf32, #tpu.memory_space<vmem>>, vector<1x1x16xf32>,
      %parallel_loop3A_345 = arith.constant 64 : i32
      %parallel_loop3A_346 = arith.addi %parallel_loop3A_345, %parallel_loop3A_233 : i32
      %parallel_loop3A_347 = arith.constant 0 : i32
      %parallel_loop3A_348 = arith.index_cast %parallel_loop3A_347 : i32 to index
      %parallel_loop3A_349 = arith.index_cast %parallel_loop3A_346 : i32 to index
      %parallel_loop3A_350 = arith.constant 80 : index
      %parallel_loop3A_351 = tpu.vector_load %arg7[%parallel_loop3A_348, %parallel_loop3A_349, %parallel_loop3A_350] {strides = array<i32>} : memref<2x128x128xf32, #tpu.memory_space<vmem>>, vector<1x1x16xf32>,
      %parallel_loop3A_352 = vector.shape_cast %parallel_loop3A_351 : vector<1x1x16xf32> to vector<16xf32>
      %parallel_loop3A_353 = vector.shape_cast %parallel_loop3A_337 : vector<16xf32> to vector<1x1x16xf32>
      tpu.vector_store %arg7[%parallel_loop3A_348, %parallel_loop3A_349, %parallel_loop3A_350], %parallel_loop3A_353 {add = true, strides = array<i32>} : memref<2x128x128xf32, #tpu.memory_space<vmem>>, vector<1x1x16xf32>,
      %parallel_loop3A_354 = arith.index_cast %parallel_loop3A_233 : i32 to index
      %parallel_loop3A_355 = arith.constant 96 : index
      %parallel_loop3A_356 = tpu.vector_load %arg8[%parallel_loop3A_354, %parallel_loop3A_355] {strides = array<i32>} : memref<64x128xf32, #tpu.memory_space<vmem>>, vector<1x16xf32>,
      %parallel_loop3A_357 = vector.shape_cast %parallel_loop3A_356 : vector<1x16xf32> to vector<16xf32>
      %parallel_loop3A_358 = arith.constant 0 : i32
      %parallel_loop3A_359 = arith.index_cast %parallel_loop3A_358 : i32 to index
      %parallel_loop3A_360 = arith.index_cast %parallel_loop3A_233 : i32 to index
      %parallel_loop3A_361 = arith.constant 96 : index
      %parallel_loop3A_362 = tpu.vector_load %arg7[%parallel_loop3A_359, %parallel_loop3A_360, %parallel_loop3A_361] {strides = array<i32>} : memref<2x128x128xf32, #tpu.memory_space<vmem>>, vector<1x1x16xf32>,
      %parallel_loop3A_363 = vector.shape_cast %parallel_loop3A_362 : vector<1x1x16xf32> to vector<16xf32>
      %parallel_loop3A_364 = vector.shape_cast %parallel_loop3A_357 : vector<16xf32> to vector<1x1x16xf32>
      tpu.vector_store %arg7[%parallel_loop3A_359, %parallel_loop3A_360, %parallel_loop3A_361], %parallel_loop3A_364 {add = true, strides = array<i32>} : memref<2x128x128xf32, #tpu.memory_space<vmem>>, vector<1x1x16xf32>,
      %parallel_loop3A_365 = arith.constant 64 : i32
      %parallel_loop3A_366 = arith.addi %parallel_loop3A_365, %parallel_loop3A_233 : i32
      %parallel_loop3A_367 = arith.constant 0 : i32
      %parallel_loop3A_368 = arith.index_cast %parallel_loop3A_367 : i32 to index
      %parallel_loop3A_369 = arith.index_cast %parallel_loop3A_366 : i32 to index
      %parallel_loop3A_370 = arith.constant 96 : index
      %parallel_loop3A_371 = tpu.vector_load %arg7[%parallel_loop3A_368, %parallel_loop3A_369, %parallel_loop3A_370] {strides = array<i32>} : memref<2x128x128xf32, #tpu.memory_space<vmem>>, vector<1x1x16xf32>,
      %parallel_loop3A_372 = vector.shape_cast %parallel_loop3A_371 : vector<1x1x16xf32> to vector<16xf32>
      %parallel_loop3A_373 = vector.shape_cast %parallel_loop3A_357 : vector<16xf32> to vector<1x1x16xf32>
      tpu.vector_store %arg7[%parallel_loop3A_368, %parallel_loop3A_369, %parallel_loop3A_370], %parallel_loop3A_373 {add = true, strides = array<i32>} : memref<2x128x128xf32, #tpu.memory_space<vmem>>, vector<1x1x16xf32>,
      %parallel_loop3A_374 = arith.index_cast %parallel_loop3A_233 : i32 to index
      %parallel_loop3A_375 = arith.constant 112 : index
      %parallel_loop3A_376 = tpu.vector_load %arg8[%parallel_loop3A_374, %parallel_loop3A_375] {strides = array<i32>} : memref<64x128xf32, #tpu.memory_space<vmem>>, vector<1x16xf32>,
      %parallel_loop3A_377 = vector.shape_cast %parallel_loop3A_376 : vector<1x16xf32> to vector<16xf32>
      %parallel_loop3A_378 = arith.constant 0 : i32
      %parallel_loop3A_379 = arith.index_cast %parallel_loop3A_378 : i32 to index
      %parallel_loop3A_380 = arith.index_cast %parallel_loop3A_233 : i32 to index
      %parallel_loop3A_381 = arith.constant 112 : index
      %parallel_loop3A_382 = tpu.vector_load %arg7[%parallel_loop3A_379, %parallel_loop3A_380, %parallel_loop3A_381] {strides = array<i32>} : memref<2x128x128xf32, #tpu.memory_space<vmem>>, vector<1x1x16xf32>,
      %parallel_loop3A_383 = vector.shape_cast %parallel_loop3A_382 : vector<1x1x16xf32> to vector<16xf32>
      %parallel_loop3A_384 = vector.shape_cast %parallel_loop3A_377 : vector<16xf32> to vector<1x1x16xf32>
      tpu.vector_store %arg7[%parallel_loop3A_379, %parallel_loop3A_380, %parallel_loop3A_381], %parallel_loop3A_384 {add = true, strides = array<i32>} : memref<2x128x128xf32, #tpu.memory_space<vmem>>, vector<1x1x16xf32>,
      %parallel_loop3A_385 = arith.constant 64 : i32
      %parallel_loop3A_386 = arith.addi %parallel_loop3A_385, %parallel_loop3A_233 : i32
      %parallel_loop3A_387 = arith.constant 0 : i32
      %parallel_loop3A_388 = arith.index_cast %parallel_loop3A_387 : i32 to index
      %parallel_loop3A_389 = arith.index_cast %parallel_loop3A_386 : i32 to index
      %parallel_loop3A_390 = arith.constant 112 : index
      %parallel_loop3A_391 = tpu.vector_load %arg7[%parallel_loop3A_388, %parallel_loop3A_389, %parallel_loop3A_390] {strides = array<i32>} : memref<2x128x128xf32, #tpu.memory_space<vmem>>, vector<1x1x16xf32>,
      %parallel_loop3A_392 = vector.shape_cast %parallel_loop3A_391 : vector<1x1x16xf32> to vector<16xf32>
      %parallel_loop3A_393 = vector.shape_cast %parallel_loop3A_377 : vector<16xf32> to vector<1x1x16xf32>
      tpu.vector_store %arg7[%parallel_loop3A_388, %parallel_loop3A_389, %parallel_loop3A_390], %parallel_loop3A_393 {add = true, strides = array<i32>} : memref<2x128x128xf32, #tpu.memory_space<vmem>>, vector<1x1x16xf32>,
    } {sc.loop_unroll_factor = 1 : i64, sc.parallel_access}
    %dma_start3A_63 = arith.constant 0 : i32
    %dma_start3A_64 = arith.constant 0 : i32
    %dma_start3A_65 = arith.constant 0 : i32
    %dma_start3A_66 = arith.constant 0 : i32
    %dma_start3A_67 = arith.constant 0 : i32
    %dma_start3A_68 = tpu.memref_slice %arg7[%dma_start3A_63, %dma_start3A_66, %dma_start3A_67] : memref<2x128x128xf32, #tpu.memory_space<vmem>> -> memref<1x64x128xf32, #tpu.memory_space<vmem>>
    %dma_start3A_69 = tpu.memref_squeeze %dma_start3A_68 : memref<1x64x128xf32, #tpu.memory_space<vmem>> -> memref<64x128xf32, #tpu.memory_space<vmem>>
    %dma_start3A_70 = arith.constant 0 : i32
    %dma_start3A_71 = tpu.memref_slice %arg5[%dma_start3A_64, %mul3A_2, %dma_start3A_70] : memref<4x2048x128xf32, #tpu.memory_space<hbm>> -> memref<1x64x128xf32, #tpu.memory_space<hbm>>
    %dma_start3A_72 = tpu.memref_squeeze %dma_start3A_71 : memref<1x64x128xf32, #tpu.memory_space<hbm>> -> memref<64x128xf32, #tpu.memory_space<hbm>>
    %dma_start3A_73 = tpu.memref_slice %arg11[%dma_start3A_65] : memref<2x!tpu.dma_semaphore, #tpu.memory_space<semaphore_mem>> -> memref<1x!tpu.dma_semaphore, #tpu.memory_space<semaphore_mem>>
    %dma_start3A_74 = tpu.memref_squeeze %dma_start3A_73 : memref<1x!tpu.dma_semaphore, #tpu.memory_space<semaphore_mem>> -> memref<!tpu.dma_semaphore, #tpu.memory_space<semaphore_mem>>
    %dma_start3A_75 = arith.constant 0 : i32
    %dma_start3A_76 = tpu.memref_slice %arg5[%dma_start3A_64, %mul3A_2, %dma_start3A_75] : memref<4x2048x128xf32, #tpu.memory_space<hbm>> -> memref<1x64x128xf32, #tpu.memory_space<hbm>>
    %dma_start3A_77 = tpu.memref_squeeze %dma_start3A_76 : memref<1x64x128xf32, #tpu.memory_space<hbm>> -> memref<64x128xf32, #tpu.memory_space<hbm>>
    %dma_start3A_78 = arith.constant 0 : i32
    %dma_start3A_79 = arith.constant 0 : i32
    %dma_start3A_80 = tpu.memref_slice %arg7[%dma_start3A_63, %dma_start3A_78, %dma_start3A_79] : memref<2x128x128xf32, #tpu.memory_space<vmem>> -> memref<1x64x128xf32, #tpu.memory_space<vmem>>
    %dma_start3A_81 = tpu.memref_squeeze %dma_start3A_80 : memref<1x64x128xf32, #tpu.memory_space<vmem>> -> memref<64x128xf32, #tpu.memory_space<vmem>>
    tpu.enqueue_dma source(%dma_start3A_81 : memref<64x128xf32, #tpu.memory_space<vmem>>) target(%dma_start3A_77 : memref<64x128xf32, #tpu.memory_space<hbm>>) target_semaphore(%dma_start3A_74 : memref<!tpu.dma_semaphore, #tpu.memory_space<semaphore_mem>>)
    %dma_start3A_82 = arith.constant 0 : i32
    %dma_start3A_83 = arith.constant 1 : i32
    %dma_start3A_84 = arith.constant 0 : i32
    %dma_start3A_85 = arith.constant 64 : i32
    %dma_start3A_86 = arith.constant 0 : i32
    %dma_start3A_87 = tpu.memref_slice %arg7[%dma_start3A_82, %dma_start3A_85, %dma_start3A_86] : memref<2x128x128xf32, #tpu.memory_space<vmem>> -> memref<1x64x128xf32, #tpu.memory_space<vmem>>
    %dma_start3A_88 = tpu.memref_squeeze %dma_start3A_87 : memref<1x64x128xf32, #tpu.memory_space<vmem>> -> memref<64x128xf32, #tpu.memory_space<vmem>>
    %dma_start3A_89 = arith.constant 0 : i32
    %dma_start3A_90 = tpu.memref_slice %arg5[%dma_start3A_83, %mul3A_2, %dma_start3A_89] : memref<4x2048x128xf32, #tpu.memory_space<hbm>> -> memref<1x64x128xf32, #tpu.memory_space<hbm>>
    %dma_start3A_91 = tpu.memref_squeeze %dma_start3A_90 : memref<1x64x128xf32, #tpu.memory_space<hbm>> -> memref<64x128xf32, #tpu.memory_space<hbm>>
    %dma_start3A_92 = tpu.memref_slice %arg11[%dma_start3A_84] : memref<2x!tpu.dma_semaphore, #tpu.memory_space<semaphore_mem>> -> memref<1x!tpu.dma_semaphore, #tpu.memory_space<semaphore_mem>>
    %dma_start3A_93 = tpu.memref_squeeze %dma_start3A_92 : memref<1x!tpu.dma_semaphore, #tpu.memory_space<semaphore_mem>> -> memref<!tpu.dma_semaphore, #tpu.memory_space<semaphore_mem>>
    %dma_start3A_94 = arith.constant 0 : i32
    %dma_start3A_95 = tpu.memref_slice %arg5[%dma_start3A_83, %mul3A_2, %dma_start3A_94] : memref<4x2048x128xf32, #tpu.memory_space<hbm>> -> memref<1x64x128xf32, #tpu.memory_space<hbm>>
    %dma_start3A_96 = tpu.memref_squeeze %dma_start3A_95 : memref<1x64x128xf32, #tpu.memory_space<hbm>> -> memref<64x128xf32, #tpu.memory_space<hbm>>
    %dma_start3A_97 = arith.constant 64 : i32
    %dma_start3A_98 = arith.constant 0 : i32
    %dma_start3A_99 = tpu.memref_slice %arg7[%dma_start3A_82, %dma_start3A_97, %dma_start3A_98] : memref<2x128x128xf32, #tpu.memory_space<vmem>> -> memref<1x64x128xf32, #tpu.memory_space<vmem>>
    %dma_start3A_100 = tpu.memref_squeeze %dma_start3A_99 : memref<1x64x128xf32, #tpu.memory_space<vmem>> -> memref<64x128xf32, #tpu.memory_space<vmem>>
    tpu.enqueue_dma source(%dma_start3A_100 : memref<64x128xf32, #tpu.memory_space<vmem>>) target(%dma_start3A_96 : memref<64x128xf32, #tpu.memory_space<hbm>>) target_semaphore(%dma_start3A_93 : memref<!tpu.dma_semaphore, #tpu.memory_space<semaphore_mem>>)
    %dma_wait3A_101 = arith.constant 1 : i32
    %dma_wait3A_102 = arith.constant 1 : i32
    %dma_wait3A_103 = arith.constant 1 : i32
    %dma_wait3A_104 = arith.constant 0 : i32
    %dma_wait3A_105 = arith.constant 0 : i32
    %dma_wait3A_106 = tpu.memref_slice %arg7[%dma_wait3A_102, %dma_wait3A_104, %dma_wait3A_105] : memref<2x128x128xf32, #tpu.memory_space<vmem>> -> memref<1x128x128xf32, #tpu.memory_space<vmem>>
    %dma_wait3A_107 = tpu.memref_squeeze %dma_wait3A_106 : memref<1x128x128xf32, #tpu.memory_space<vmem>> -> memref<128x128xf32, #tpu.memory_space<vmem>>
    %dma_wait3A_108 = arith.constant 0 : i32
    %dma_wait3A_109 = tpu.memref_slice %arg6[%dma_wait3A_101, %dma_wait3A_108] : memref<2x128xi32, #tpu.memory_space<vmem>> -> memref<1x128xi32, #tpu.memory_space<vmem>>
    %dma_wait3A_110 = tpu.memref_squeeze %dma_wait3A_109 : memref<1x128xi32, #tpu.memory_space<vmem>> -> memref<128xi32, #tpu.memory_space<vmem>>
    %dma_wait3A_111 = arith.constant 0 : i32
    %dma_wait3A_112 = arith.constant 0 : i32
    %dma_wait3A_113 = tpu.memref_slice %arg4[%dma_wait3A_111, %dma_wait3A_112] : memref<100000x128xf32, #tpu.memory_space<hbm>> -> memref<100000x128xf32, #tpu.memory_space<hbm>>
    %dma_wait3A_114 = tpu.memref_slice %arg10[%dma_wait3A_103] : memref<2x!tpu.dma_semaphore, #tpu.memory_space<semaphore_mem>> -> memref<1x!tpu.dma_semaphore, #tpu.memory_space<semaphore_mem>>
    %dma_wait3A_115 = tpu.memref_squeeze %dma_wait3A_114 : memref<1x!tpu.dma_semaphore, #tpu.memory_space<semaphore_mem>> -> memref<!tpu.dma_semaphore, #tpu.memory_space<semaphore_mem>>
    tpu.wait_indirect_dma semaphore(%dma_wait3A_115 : memref<!tpu.dma_semaphore, #tpu.memory_space<semaphore_mem>>) src(%dma_wait3A_113 : memref<100000x128xf32, #tpu.memory_space<hbm>>) dst(%dma_wait3A_107 : memref<128x128xf32, #tpu.memory_space<vmem>>)
    %parallel_loop3A_116 = arith.constant 0 : i32
    %parallel_loop3A_117 = arith.constant 64 : i32
    %parallel_loop3A_118 = arith.constant 1 : i32
    scf.for %parallel_loop3A_233 = %parallel_loop3A_116 to %parallel_loop3A_117 step %parallel_loop3A_118  : i32 {
      %parallel_loop3A_234 = arith.index_cast %parallel_loop3A_233 : i32 to index
      %parallel_loop3A_235 = arith.constant 0 : index
      %parallel_loop3A_236 = tpu.vector_load %arg8[%parallel_loop3A_234, %parallel_loop3A_235] {strides = array<i32>} : memref<64x128xf32, #tpu.memory_space<vmem>>, vector<1x16xf32>,
      %parallel_loop3A_237 = vector.shape_cast %parallel_loop3A_236 : vector<1x16xf32> to vector<16xf32>
      %parallel_loop3A_238 = arith.constant 1 : i32
      %parallel_loop3A_239 = arith.index_cast %parallel_loop3A_238 : i32 to index
      %parallel_loop3A_240 = arith.index_cast %parallel_loop3A_233 : i32 to index
      %parallel_loop3A_241 = arith.constant 0 : index
      %parallel_loop3A_242 = tpu.vector_load %arg7[%parallel_loop3A_239, %parallel_loop3A_240, %parallel_loop3A_241] {strides = array<i32>} : memref<2x128x128xf32, #tpu.memory_space<vmem>>, vector<1x1x16xf32>,
      %parallel_loop3A_243 = vector.shape_cast %parallel_loop3A_242 : vector<1x1x16xf32> to vector<16xf32>
      %parallel_loop3A_244 = vector.shape_cast %parallel_loop3A_237 : vector<16xf32> to vector<1x1x16xf32>
      tpu.vector_store %arg7[%parallel_loop3A_239, %parallel_loop3A_240, %parallel_loop3A_241], %parallel_loop3A_244 {add = true, strides = array<i32>} : memref<2x128x128xf32, #tpu.memory_space<vmem>>, vector<1x1x16xf32>,
      %parallel_loop3A_245 = arith.constant 64 : i32
      %parallel_loop3A_246 = arith.addi %parallel_loop3A_245, %parallel_loop3A_233 : i32
      %parallel_loop3A_247 = arith.constant 1 : i32
      %parallel_loop3A_248 = arith.index_cast %parallel_loop3A_247 : i32 to index
      %parallel_loop3A_249 = arith.index_cast %parallel_loop3A_246 : i32 to index
      %parallel_loop3A_250 = arith.constant 0 : index
      %parallel_loop3A_251 = tpu.vector_load %arg7[%parallel_loop3A_248, %parallel_loop3A_249, %parallel_loop3A_250] {strides = array<i32>} : memref<2x128x128xf32, #tpu.memory_space<vmem>>, vector<1x1x16xf32>,
      %parallel_loop3A_252 = vector.shape_cast %parallel_loop3A_251 : vector<1x1x16xf32> to vector<16xf32>
      %parallel_loop3A_253 = vector.shape_cast %parallel_loop3A_237 : vector<16xf32> to vector<1x1x16xf32>
      tpu.vector_store %arg7[%parallel_loop3A_248, %parallel_loop3A_249, %parallel_loop3A_250], %parallel_loop3A_253 {add = true, strides = array<i32>} : memref<2x128x128xf32, #tpu.memory_space<vmem>>, vector<1x1x16xf32>,
      %parallel_loop3A_254 = arith.index_cast %parallel_loop3A_233 : i32 to index
      %parallel_loop3A_255 = arith.constant 16 : index
      %parallel_loop3A_256 = tpu.vector_load %arg8[%parallel_loop3A_254, %parallel_loop3A_255] {strides = array<i32>} : memref<64x128xf32, #tpu.memory_space<vmem>>, vector<1x16xf32>,
      %parallel_loop3A_257 = vector.shape_cast %parallel_loop3A_256 : vector<1x16xf32> to vector<16xf32>
      %parallel_loop3A_258 = arith.constant 1 : i32
      %parallel_loop3A_259 = arith.index_cast %parallel_loop3A_258 : i32 to index
      %parallel_loop3A_260 = arith.index_cast %parallel_loop3A_233 : i32 to index
      %parallel_loop3A_261 = arith.constant 16 : index
      %parallel_loop3A_262 = tpu.vector_load %arg7[%parallel_loop3A_259, %parallel_loop3A_260, %parallel_loop3A_261] {strides = array<i32>} : memref<2x128x128xf32, #tpu.memory_space<vmem>>, vector<1x1x16xf32>,
      %parallel_loop3A_263 = vector.shape_cast %parallel_loop3A_262 : vector<1x1x16xf32> to vector<16xf32>
      %parallel_loop3A_264 = vector.shape_cast %parallel_loop3A_257 : vector<16xf32> to vector<1x1x16xf32>
      tpu.vector_store %arg7[%parallel_loop3A_259, %parallel_loop3A_260, %parallel_loop3A_261], %parallel_loop3A_264 {add = true, strides = array<i32>} : memref<2x128x128xf32, #tpu.memory_space<vmem>>, vector<1x1x16xf32>,
      %parallel_loop3A_265 = arith.constant 64 : i32
      %parallel_loop3A_266 = arith.addi %parallel_loop3A_265, %parallel_loop3A_233 : i32
      %parallel_loop3A_267 = arith.constant 1 : i32
      %parallel_loop3A_268 = arith.index_cast %parallel_loop3A_267 : i32 to index
      %parallel_loop3A_269 = arith.index_cast %parallel_loop3A_266 : i32 to index
      %parallel_loop3A_270 = arith.constant 16 : index
      %parallel_loop3A_271 = tpu.vector_load %arg7[%parallel_loop3A_268, %parallel_loop3A_269, %parallel_loop3A_270] {strides = array<i32>} : memref<2x128x128xf32, #tpu.memory_space<vmem>>, vector<1x1x16xf32>,
      %parallel_loop3A_272 = vector.shape_cast %parallel_loop3A_271 : vector<1x1x16xf32> to vector<16xf32>
      %parallel_loop3A_273 = vector.shape_cast %parallel_loop3A_257 : vector<16xf32> to vector<1x1x16xf32>
      tpu.vector_store %arg7[%parallel_loop3A_268, %parallel_loop3A_269, %parallel_loop3A_270], %parallel_loop3A_273 {add = true, strides = array<i32>} : memref<2x128x128xf32, #tpu.memory_space<vmem>>, vector<1x1x16xf32>,
      %parallel_loop3A_274 = arith.index_cast %parallel_loop3A_233 : i32 to index
      %parallel_loop3A_275 = arith.constant 32 : index
      %parallel_loop3A_276 = tpu.vector_load %arg8[%parallel_loop3A_274, %parallel_loop3A_275] {strides = array<i32>} : memref<64x128xf32, #tpu.memory_space<vmem>>, vector<1x16xf32>,
      %parallel_loop3A_277 = vector.shape_cast %parallel_loop3A_276 : vector<1x16xf32> to vector<16xf32>
      %parallel_loop3A_278 = arith.constant 1 : i32
      %parallel_loop3A_279 = arith.index_cast %parallel_loop3A_278 : i32 to index
      %parallel_loop3A_280 = arith.index_cast %parallel_loop3A_233 : i32 to index
      %parallel_loop3A_281 = arith.constant 32 : index
      %parallel_loop3A_282 = tpu.vector_load %arg7[%parallel_loop3A_279, %parallel_loop3A_280, %parallel_loop3A_281] {strides = array<i32>} : memref<2x128x128xf32, #tpu.memory_space<vmem>>, vector<1x1x16xf32>,
      %parallel_loop3A_283 = vector.shape_cast %parallel_loop3A_282 : vector<1x1x16xf32> to vector<16xf32>
      %parallel_loop3A_284 = vector.shape_cast %parallel_loop3A_277 : vector<16xf32> to vector<1x1x16xf32>
      tpu.vector_store %arg7[%parallel_loop3A_279, %parallel_loop3A_280, %parallel_loop3A_281], %parallel_loop3A_284 {add = true, strides = array<i32>} : memref<2x128x128xf32, #tpu.memory_space<vmem>>, vector<1x1x16xf32>,
      %parallel_loop3A_285 = arith.constant 64 : i32
      %parallel_loop3A_286 = arith.addi %parallel_loop3A_285, %parallel_loop3A_233 : i32
      %parallel_loop3A_287 = arith.constant 1 : i32
      %parallel_loop3A_288 = arith.index_cast %parallel_loop3A_287 : i32 to index
      %parallel_loop3A_289 = arith.index_cast %parallel_loop3A_286 : i32 to index
      %parallel_loop3A_290 = arith.constant 32 : index
      %parallel_loop3A_291 = tpu.vector_load %arg7[%parallel_loop3A_288, %parallel_loop3A_289, %parallel_loop3A_290] {strides = array<i32>} : memref<2x128x128xf32, #tpu.memory_space<vmem>>, vector<1x1x16xf32>,
      %parallel_loop3A_292 = vector.shape_cast %parallel_loop3A_291 : vector<1x1x16xf32> to vector<16xf32>
      %parallel_loop3A_293 = vector.shape_cast %parallel_loop3A_277 : vector<16xf32> to vector<1x1x16xf32>
      tpu.vector_store %arg7[%parallel_loop3A_288, %parallel_loop3A_289, %parallel_loop3A_290], %parallel_loop3A_293 {add = true, strides = array<i32>} : memref<2x128x128xf32, #tpu.memory_space<vmem>>, vector<1x1x16xf32>,
      %parallel_loop3A_294 = arith.index_cast %parallel_loop3A_233 : i32 to index
      %parallel_loop3A_295 = arith.constant 48 : index
      %parallel_loop3A_296 = tpu.vector_load %arg8[%parallel_loop3A_294, %parallel_loop3A_295] {strides = array<i32>} : memref<64x128xf32, #tpu.memory_space<vmem>>, vector<1x16xf32>,
      %parallel_loop3A_297 = vector.shape_cast %parallel_loop3A_296 : vector<1x16xf32> to vector<16xf32>
      %parallel_loop3A_298 = arith.constant 1 : i32
      %parallel_loop3A_299 = arith.index_cast %parallel_loop3A_298 : i32 to index
      %parallel_loop3A_300 = arith.index_cast %parallel_loop3A_233 : i32 to index
      %parallel_loop3A_301 = arith.constant 48 : index
      %parallel_loop3A_302 = tpu.vector_load %arg7[%parallel_loop3A_299, %parallel_loop3A_300, %parallel_loop3A_301] {strides = array<i32>} : memref<2x128x128xf32, #tpu.memory_space<vmem>>, vector<1x1x16xf32>,
      %parallel_loop3A_303 = vector.shape_cast %parallel_loop3A_302 : vector<1x1x16xf32> to vector<16xf32>
      %parallel_loop3A_304 = vector.shape_cast %parallel_loop3A_297 : vector<16xf32> to vector<1x1x16xf32>
      tpu.vector_store %arg7[%parallel_loop3A_299, %parallel_loop3A_300, %parallel_loop3A_301], %parallel_loop3A_304 {add = true, strides = array<i32>} : memref<2x128x128xf32, #tpu.memory_space<vmem>>, vector<1x1x16xf32>,
      %parallel_loop3A_305 = arith.constant 64 : i32
      %parallel_loop3A_306 = arith.addi %parallel_loop3A_305, %parallel_loop3A_233 : i32
      %parallel_loop3A_307 = arith.constant 1 : i32
      %parallel_loop3A_308 = arith.index_cast %parallel_loop3A_307 : i32 to index
      %parallel_loop3A_309 = arith.index_cast %parallel_loop3A_306 : i32 to index
      %parallel_loop3A_310 = arith.constant 48 : index
      %parallel_loop3A_311 = tpu.vector_load %arg7[%parallel_loop3A_308, %parallel_loop3A_309, %parallel_loop3A_310] {strides = array<i32>} : memref<2x128x128xf32, #tpu.memory_space<vmem>>, vector<1x1x16xf32>,
      %parallel_loop3A_312 = vector.shape_cast %parallel_loop3A_311 : vector<1x1x16xf32> to vector<16xf32>
      %parallel_loop3A_313 = vector.shape_cast %parallel_loop3A_297 : vector<16xf32> to vector<1x1x16xf32>
      tpu.vector_store %arg7[%parallel_loop3A_308, %parallel_loop3A_309, %parallel_loop3A_310], %parallel_loop3A_313 {add = true, strides = array<i32>} : memref<2x128x128xf32, #tpu.memory_space<vmem>>, vector<1x1x16xf32>,
      %parallel_loop3A_314 = arith.index_cast %parallel_loop3A_233 : i32 to index
      %parallel_loop3A_315 = arith.constant 64 : index
      %parallel_loop3A_316 = tpu.vector_load %arg8[%parallel_loop3A_314, %parallel_loop3A_315] {strides = array<i32>} : memref<64x128xf32, #tpu.memory_space<vmem>>, vector<1x16xf32>,
      %parallel_loop3A_317 = vector.shape_cast %parallel_loop3A_316 : vector<1x16xf32> to vector<16xf32>
      %parallel_loop3A_318 = arith.constant 1 : i32
      %parallel_loop3A_319 = arith.index_cast %parallel_loop3A_318 : i32 to index
      %parallel_loop3A_320 = arith.index_cast %parallel_loop3A_233 : i32 to index
      %parallel_loop3A_321 = arith.constant 64 : index
      %parallel_loop3A_322 = tpu.vector_load %arg7[%parallel_loop3A_319, %parallel_loop3A_320, %parallel_loop3A_321] {strides = array<i32>} : memref<2x128x128xf32, #tpu.memory_space<vmem>>, vector<1x1x16xf32>,
      %parallel_loop3A_323 = vector.shape_cast %parallel_loop3A_322 : vector<1x1x16xf32> to vector<16xf32>
      %parallel_loop3A_324 = vector.shape_cast %parallel_loop3A_317 : vector<16xf32> to vector<1x1x16xf32>
      tpu.vector_store %arg7[%parallel_loop3A_319, %parallel_loop3A_320, %parallel_loop3A_321], %parallel_loop3A_324 {add = true, strides = array<i32>} : memref<2x128x128xf32, #tpu.memory_space<vmem>>, vector<1x1x16xf32>,
      %parallel_loop3A_325 = arith.constant 64 : i32
      %parallel_loop3A_326 = arith.addi %parallel_loop3A_325, %parallel_loop3A_233 : i32
      %parallel_loop3A_327 = arith.constant 1 : i32
      %parallel_loop3A_328 = arith.index_cast %parallel_loop3A_327 : i32 to index
      %parallel_loop3A_329 = arith.index_cast %parallel_loop3A_326 : i32 to index
      %parallel_loop3A_330 = arith.constant 64 : index
      %parallel_loop3A_331 = tpu.vector_load %arg7[%parallel_loop3A_328, %parallel_loop3A_329, %parallel_loop3A_330] {strides = array<i32>} : memref<2x128x128xf32, #tpu.memory_space<vmem>>, vector<1x1x16xf32>,
      %parallel_loop3A_332 = vector.shape_cast %parallel_loop3A_331 : vector<1x1x16xf32> to vector<16xf32>
      %parallel_loop3A_333 = vector.shape_cast %parallel_loop3A_317 : vector<16xf32> to vector<1x1x16xf32>
      tpu.vector_store %arg7[%parallel_loop3A_328, %parallel_loop3A_329, %parallel_loop3A_330], %parallel_loop3A_333 {add = true, strides = array<i32>} : memref<2x128x128xf32, #tpu.memory_space<vmem>>, vector<1x1x16xf32>,
      %parallel_loop3A_334 = arith.index_cast %parallel_loop3A_233 : i32 to index
      %parallel_loop3A_335 = arith.constant 80 : index
      %parallel_loop3A_336 = tpu.vector_load %arg8[%parallel_loop3A_334, %parallel_loop3A_335] {strides = array<i32>} : memref<64x128xf32, #tpu.memory_space<vmem>>, vector<1x16xf32>,
      %parallel_loop3A_337 = vector.shape_cast %parallel_loop3A_336 : vector<1x16xf32> to vector<16xf32>
      %parallel_loop3A_338 = arith.constant 1 : i32
      %parallel_loop3A_339 = arith.index_cast %parallel_loop3A_338 : i32 to index
      %parallel_loop3A_340 = arith.index_cast %parallel_loop3A_233 : i32 to index
      %parallel_loop3A_341 = arith.constant 80 : index
      %parallel_loop3A_342 = tpu.vector_load %arg7[%parallel_loop3A_339, %parallel_loop3A_340, %parallel_loop3A_341] {strides = array<i32>} : memref<2x128x128xf32, #tpu.memory_space<vmem>>, vector<1x1x16xf32>,
      %parallel_loop3A_343 = vector.shape_cast %parallel_loop3A_342 : vector<1x1x16xf32> to vector<16xf32>
      %parallel_loop3A_344 = vector.shape_cast %parallel_loop3A_337 : vector<16xf32> to vector<1x1x16xf32>
      tpu.vector_store %arg7[%parallel_loop3A_339, %parallel_loop3A_340, %parallel_loop3A_341], %parallel_loop3A_344 {add = true, strides = array<i32>} : memref<2x128x128xf32, #tpu.memory_space<vmem>>, vector<1x1x16xf32>,
      %parallel_loop3A_345 = arith.constant 64 : i32
      %parallel_loop3A_346 = arith.addi %parallel_loop3A_345, %parallel_loop3A_233 : i32
      %parallel_loop3A_347 = arith.constant 1 : i32
      %parallel_loop3A_348 = arith.index_cast %parallel_loop3A_347 : i32 to index
      %parallel_loop3A_349 = arith.index_cast %parallel_loop3A_346 : i32 to index
      %parallel_loop3A_350 = arith.constant 80 : index
      %parallel_loop3A_351 = tpu.vector_load %arg7[%parallel_loop3A_348, %parallel_loop3A_349, %parallel_loop3A_350] {strides = array<i32>} : memref<2x128x128xf32, #tpu.memory_space<vmem>>, vector<1x1x16xf32>,
      %parallel_loop3A_352 = vector.shape_cast %parallel_loop3A_351 : vector<1x1x16xf32> to vector<16xf32>
      %parallel_loop3A_353 = vector.shape_cast %parallel_loop3A_337 : vector<16xf32> to vector<1x1x16xf32>
      tpu.vector_store %arg7[%parallel_loop3A_348, %parallel_loop3A_349, %parallel_loop3A_350], %parallel_loop3A_353 {add = true, strides = array<i32>} : memref<2x128x128xf32, #tpu.memory_space<vmem>>, vector<1x1x16xf32>,
      %parallel_loop3A_354 = arith.index_cast %parallel_loop3A_233 : i32 to index
      %parallel_loop3A_355 = arith.constant 96 : index
      %parallel_loop3A_356 = tpu.vector_load %arg8[%parallel_loop3A_354, %parallel_loop3A_355] {strides = array<i32>} : memref<64x128xf32, #tpu.memory_space<vmem>>, vector<1x16xf32>,
      %parallel_loop3A_357 = vector.shape_cast %parallel_loop3A_356 : vector<1x16xf32> to vector<16xf32>
      %parallel_loop3A_358 = arith.constant 1 : i32
      %parallel_loop3A_359 = arith.index_cast %parallel_loop3A_358 : i32 to index
      %parallel_loop3A_360 = arith.index_cast %parallel_loop3A_233 : i32 to index
      %parallel_loop3A_361 = arith.constant 96 : index
      %parallel_loop3A_362 = tpu.vector_load %arg7[%parallel_loop3A_359, %parallel_loop3A_360, %parallel_loop3A_361] {strides = array<i32>} : memref<2x128x128xf32, #tpu.memory_space<vmem>>, vector<1x1x16xf32>,
      %parallel_loop3A_363 = vector.shape_cast %parallel_loop3A_362 : vector<1x1x16xf32> to vector<16xf32>
      %parallel_loop3A_364 = vector.shape_cast %parallel_loop3A_357 : vector<16xf32> to vector<1x1x16xf32>
      tpu.vector_store %arg7[%parallel_loop3A_359, %parallel_loop3A_360, %parallel_loop3A_361], %parallel_loop3A_364 {add = true, strides = array<i32>} : memref<2x128x128xf32, #tpu.memory_space<vmem>>, vector<1x1x16xf32>,
      %parallel_loop3A_365 = arith.constant 64 : i32
      %parallel_loop3A_366 = arith.addi %parallel_loop3A_365, %parallel_loop3A_233 : i32
      %parallel_loop3A_367 = arith.constant 1 : i32
      %parallel_loop3A_368 = arith.index_cast %parallel_loop3A_367 : i32 to index
      %parallel_loop3A_369 = arith.index_cast %parallel_loop3A_366 : i32 to index
      %parallel_loop3A_370 = arith.constant 96 : index
      %parallel_loop3A_371 = tpu.vector_load %arg7[%parallel_loop3A_368, %parallel_loop3A_369, %parallel_loop3A_370] {strides = array<i32>} : memref<2x128x128xf32, #tpu.memory_space<vmem>>, vector<1x1x16xf32>,
      %parallel_loop3A_372 = vector.shape_cast %parallel_loop3A_371 : vector<1x1x16xf32> to vector<16xf32>
      %parallel_loop3A_373 = vector.shape_cast %parallel_loop3A_357 : vector<16xf32> to vector<1x1x16xf32>
      tpu.vector_store %arg7[%parallel_loop3A_368, %parallel_loop3A_369, %parallel_loop3A_370], %parallel_loop3A_373 {add = true, strides = array<i32>} : memref<2x128x128xf32, #tpu.memory_space<vmem>>, vector<1x1x16xf32>,
      %parallel_loop3A_374 = arith.index_cast %parallel_loop3A_233 : i32 to index
      %parallel_loop3A_375 = arith.constant 112 : index
      %parallel_loop3A_376 = tpu.vector_load %arg8[%parallel_loop3A_374, %parallel_loop3A_375] {strides = array<i32>} : memref<64x128xf32, #tpu.memory_space<vmem>>, vector<1x16xf32>,
      %parallel_loop3A_377 = vector.shape_cast %parallel_loop3A_376 : vector<1x16xf32> to vector<16xf32>
      %parallel_loop3A_378 = arith.constant 1 : i32
      %parallel_loop3A_379 = arith.index_cast %parallel_loop3A_378 : i32 to index
      %parallel_loop3A_380 = arith.index_cast %parallel_loop3A_233 : i32 to index
      %parallel_loop3A_381 = arith.constant 112 : index
      %parallel_loop3A_382 = tpu.vector_load %arg7[%parallel_loop3A_379, %parallel_loop3A_380, %parallel_loop3A_381] {strides = array<i32>} : memref<2x128x128xf32, #tpu.memory_space<vmem>>, vector<1x1x16xf32>,
      %parallel_loop3A_383 = vector.shape_cast %parallel_loop3A_382 : vector<1x1x16xf32> to vector<16xf32>
      %parallel_loop3A_384 = vector.shape_cast %parallel_loop3A_377 : vector<16xf32> to vector<1x1x16xf32>
      tpu.vector_store %arg7[%parallel_loop3A_379, %parallel_loop3A_380, %parallel_loop3A_381], %parallel_loop3A_384 {add = true, strides = array<i32>} : memref<2x128x128xf32, #tpu.memory_space<vmem>>, vector<1x1x16xf32>,
      %parallel_loop3A_385 = arith.constant 64 : i32
      %parallel_loop3A_386 = arith.addi %parallel_loop3A_385, %parallel_loop3A_233 : i32
      %parallel_loop3A_387 = arith.constant 1 : i32
      %parallel_loop3A_388 = arith.index_cast %parallel_loop3A_387 : i32 to index
      %parallel_loop3A_389 = arith.index_cast %parallel_loop3A_386 : i32 to index
      %parallel_loop3A_390 = arith.constant 112 : index
      %parallel_loop3A_391 = tpu.vector_load %arg7[%parallel_loop3A_388, %parallel_loop3A_389, %parallel_loop3A_390] {strides = array<i32>} : memref<2x128x128xf32, #tpu.memory_space<vmem>>, vector<1x1x16xf32>,
      %parallel_loop3A_392 = vector.shape_cast %parallel_loop3A_391 : vector<1x1x16xf32> to vector<16xf32>
      %parallel_loop3A_393 = vector.shape_cast %parallel_loop3A_377 : vector<16xf32> to vector<1x1x16xf32>
      tpu.vector_store %arg7[%parallel_loop3A_388, %parallel_loop3A_389, %parallel_loop3A_390], %parallel_loop3A_393 {add = true, strides = array<i32>} : memref<2x128x128xf32, #tpu.memory_space<vmem>>, vector<1x1x16xf32>,
    } {sc.loop_unroll_factor = 1 : i64, sc.parallel_access}
    %dma_start3A_119 = arith.constant 1 : i32
    %dma_start3A_120 = arith.constant 2 : i32
    %dma_start3A_121 = arith.constant 1 : i32
    %dma_start3A_122 = arith.constant 0 : i32
    %dma_start3A_123 = arith.constant 0 : i32
    %dma_start3A_124 = tpu.memref_slice %arg7[%dma_start3A_119, %dma_start3A_122, %dma_start3A_123] : memref<2x128x128xf32, #tpu.memory_space<vmem>> -> memref<1x64x128xf32, #tpu.memory_space<vmem>>
    %dma_start3A_125 = tpu.memref_squeeze %dma_start3A_124 : memref<1x64x128xf32, #tpu.memory_space<vmem>> -> memref<64x128xf32, #tpu.memory_space<vmem>>
    %dma_start3A_126 = arith.constant 0 : i32
    %dma_start3A_127 = tpu.memref_slice %arg5[%dma_start3A_120, %mul3A_2, %dma_start3A_126] : memref<4x2048x128xf32, #tpu.memory_space<hbm>> -> memref<1x64x128xf32, #tpu.memory_space<hbm>>
    %dma_start3A_128 = tpu.memref_squeeze %dma_start3A_127 : memref<1x64x128xf32, #tpu.memory_space<hbm>> -> memref<64x128xf32, #tpu.memory_space<hbm>>
    %dma_start3A_129 = tpu.memref_slice %arg11[%dma_start3A_121] : memref<2x!tpu.dma_semaphore, #tpu.memory_space<semaphore_mem>> -> memref<1x!tpu.dma_semaphore, #tpu.memory_space<semaphore_mem>>
    %dma_start3A_130 = tpu.memref_squeeze %dma_start3A_129 : memref<1x!tpu.dma_semaphore, #tpu.memory_space<semaphore_mem>> -> memref<!tpu.dma_semaphore, #tpu.memory_space<semaphore_mem>>
    %dma_start3A_131 = arith.constant 0 : i32
    %dma_start3A_132 = tpu.memref_slice %arg5[%dma_start3A_120, %mul3A_2, %dma_start3A_131] : memref<4x2048x128xf32, #tpu.memory_space<hbm>> -> memref<1x64x128xf32, #tpu.memory_space<hbm>>
    %dma_start3A_133 = tpu.memref_squeeze %dma_start3A_132 : memref<1x64x128xf32, #tpu.memory_space<hbm>> -> memref<64x128xf32, #tpu.memory_space<hbm>>
    %dma_start3A_134 = arith.constant 0 : i32
    %dma_start3A_135 = arith.constant 0 : i32
    %dma_start3A_136 = tpu.memref_slice %arg7[%dma_start3A_119, %dma_start3A_134, %dma_start3A_135] : memref<2x128x128xf32, #tpu.memory_space<vmem>> -> memref<1x64x128xf32, #tpu.memory_space<vmem>>
    %dma_start3A_137 = tpu.memref_squeeze %dma_start3A_136 : memref<1x64x128xf32, #tpu.memory_space<vmem>> -> memref<64x128xf32, #tpu.memory_space<vmem>>
    tpu.enqueue_dma source(%dma_start3A_137 : memref<64x128xf32, #tpu.memory_space<vmem>>) target(%dma_start3A_133 : memref<64x128xf32, #tpu.memory_space<hbm>>) target_semaphore(%dma_start3A_130 : memref<!tpu.dma_semaphore, #tpu.memory_space<semaphore_mem>>)
    %dma_start3A_138 = arith.constant 1 : i32
    %dma_start3A_139 = arith.constant 3 : i32
    %dma_start3A_140 = arith.constant 1 : i32
    %dma_start3A_141 = arith.constant 64 : i32
    %dma_start3A_142 = arith.constant 0 : i32
    %dma_start3A_143 = tpu.memref_slice %arg7[%dma_start3A_138, %dma_start3A_141, %dma_start3A_142] : memref<2x128x128xf32, #tpu.memory_space<vmem>> -> memref<1x64x128xf32, #tpu.memory_space<vmem>>
    %dma_start3A_144 = tpu.memref_squeeze %dma_start3A_143 : memref<1x64x128xf32, #tpu.memory_space<vmem>> -> memref<64x128xf32, #tpu.memory_space<vmem>>
    %dma_start3A_145 = arith.constant 0 : i32
    %dma_start3A_146 = tpu.memref_slice %arg5[%dma_start3A_139, %mul3A_2, %dma_start3A_145] : memref<4x2048x128xf32, #tpu.memory_space<hbm>> -> memref<1x64x128xf32, #tpu.memory_space<hbm>>
    %dma_start3A_147 = tpu.memref_squeeze %dma_start3A_146 : memref<1x64x128xf32, #tpu.memory_space<hbm>> -> memref<64x128xf32, #tpu.memory_space<hbm>>
    %dma_start3A_148 = tpu.memref_slice %arg11[%dma_start3A_140] : memref<2x!tpu.dma_semaphore, #tpu.memory_space<semaphore_mem>> -> memref<1x!tpu.dma_semaphore, #tpu.memory_space<semaphore_mem>>
    %dma_start3A_149 = tpu.memref_squeeze %dma_start3A_148 : memref<1x!tpu.dma_semaphore, #tpu.memory_space<semaphore_mem>> -> memref<!tpu.dma_semaphore, #tpu.memory_space<semaphore_mem>>
    %dma_start3A_150 = arith.constant 0 : i32
    %dma_start3A_151 = tpu.memref_slice %arg5[%dma_start3A_139, %mul3A_2, %dma_start3A_150] : memref<4x2048x128xf32, #tpu.memory_space<hbm>> -> memref<1x64x128xf32, #tpu.memory_space<hbm>>
    %dma_start3A_152 = tpu.memref_squeeze %dma_start3A_151 : memref<1x64x128xf32, #tpu.memory_space<hbm>> -> memref<64x128xf32, #tpu.memory_space<hbm>>
    %dma_start3A_153 = arith.constant 64 : i32
    %dma_start3A_154 = arith.constant 0 : i32
    %dma_start3A_155 = tpu.memref_slice %arg7[%dma_start3A_138, %dma_start3A_153, %dma_start3A_154] : memref<2x128x128xf32, #tpu.memory_space<vmem>> -> memref<1x64x128xf32, #tpu.memory_space<vmem>>
    %dma_start3A_156 = tpu.memref_squeeze %dma_start3A_155 : memref<1x64x128xf32, #tpu.memory_space<vmem>> -> memref<64x128xf32, #tpu.memory_space<vmem>>
    tpu.enqueue_dma source(%dma_start3A_156 : memref<64x128xf32, #tpu.memory_space<vmem>>) target(%dma_start3A_152 : memref<64x128xf32, #tpu.memory_space<hbm>>) target_semaphore(%dma_start3A_149 : memref<!tpu.dma_semaphore, #tpu.memory_space<semaphore_mem>>)
    %dma_wait3A_157 = arith.constant 0 : i32
    %dma_wait3A_158 = arith.constant 0 : i32
    %dma_wait3A_159 = arith.constant 0 : i32
    %dma_wait3A_160 = arith.constant 0 : i32
    %dma_wait3A_161 = arith.constant 0 : i32
    %dma_wait3A_162 = tpu.memref_slice %arg7[%dma_wait3A_157, %dma_wait3A_160, %dma_wait3A_161] : memref<2x128x128xf32, #tpu.memory_space<vmem>> -> memref<1x64x128xf32, #tpu.memory_space<vmem>>
    %dma_wait3A_163 = tpu.memref_squeeze %dma_wait3A_162 : memref<1x64x128xf32, #tpu.memory_space<vmem>> -> memref<64x128xf32, #tpu.memory_space<vmem>>
    %dma_wait3A_164 = arith.constant 0 : i32
    %dma_wait3A_165 = tpu.memref_slice %arg5[%dma_wait3A_158, %mul3A_2, %dma_wait3A_164] : memref<4x2048x128xf32, #tpu.memory_space<hbm>> -> memref<1x64x128xf32, #tpu.memory_space<hbm>>
    %dma_wait3A_166 = tpu.memref_squeeze %dma_wait3A_165 : memref<1x64x128xf32, #tpu.memory_space<hbm>> -> memref<64x128xf32, #tpu.memory_space<hbm>>
    %dma_wait3A_167 = tpu.memref_slice %arg11[%dma_wait3A_159] : memref<2x!tpu.dma_semaphore, #tpu.memory_space<semaphore_mem>> -> memref<1x!tpu.dma_semaphore, #tpu.memory_space<semaphore_mem>>
    %dma_wait3A_168 = tpu.memref_squeeze %dma_wait3A_167 : memref<1x!tpu.dma_semaphore, #tpu.memory_space<semaphore_mem>> -> memref<!tpu.dma_semaphore, #tpu.memory_space<semaphore_mem>>
    %dma_wait3A_169 = arith.constant 0 : i32
    %dma_wait3A_170 = tpu.memref_slice %arg5[%dma_wait3A_158, %mul3A_2, %dma_wait3A_169] : memref<4x2048x128xf32, #tpu.memory_space<hbm>> -> memref<1x64x128xf32, #tpu.memory_space<hbm>>
    %dma_wait3A_171 = tpu.memref_squeeze %dma_wait3A_170 : memref<1x64x128xf32, #tpu.memory_space<hbm>> -> memref<64x128xf32, #tpu.memory_space<hbm>>
    %dma_wait3A_172 = arith.constant 0 : i32
    %dma_wait3A_173 = arith.constant 0 : i32
    %dma_wait3A_174 = tpu.memref_slice %arg7[%dma_wait3A_157, %dma_wait3A_172, %dma_wait3A_173] : memref<2x128x128xf32, #tpu.memory_space<vmem>> -> memref<1x64x128xf32, #tpu.memory_space<vmem>>
    %dma_wait3A_175 = tpu.memref_squeeze %dma_wait3A_174 : memref<1x64x128xf32, #tpu.memory_space<vmem>> -> memref<64x128xf32, #tpu.memory_space<vmem>>
    tpu.wait_dma2 semaphore(%dma_wait3A_168 : memref<!tpu.dma_semaphore, #tpu.memory_space<semaphore_mem>>) src(%dma_wait3A_175 : memref<64x128xf32, #tpu.memory_space<vmem>>) dst(%dma_wait3A_171 : memref<64x128xf32, #tpu.memory_space<hbm>>)
    %dma_wait3A_176 = arith.constant 0 : i32
    %dma_wait3A_177 = arith.constant 1 : i32
    %dma_wait3A_178 = arith.constant 0 : i32
    %dma_wait3A_179 = arith.constant 64 : i32
    %dma_wait3A_180 = arith.constant 0 : i32
    %dma_wait3A_181 = tpu.memref_slice %arg7[%dma_wait3A_176, %dma_wait3A_179, %dma_wait3A_180] : memref<2x128x128xf32, #tpu.memory_space<vmem>> -> memref<1x64x128xf32, #tpu.memory_space<vmem>>
    %dma_wait3A_182 = tpu.memref_squeeze %dma_wait3A_181 : memref<1x64x128xf32, #tpu.memory_space<vmem>> -> memref<64x128xf32, #tpu.memory_space<vmem>>
    %dma_wait3A_183 = arith.constant 0 : i32
    %dma_wait3A_184 = tpu.memref_slice %arg5[%dma_wait3A_177, %mul3A_2, %dma_wait3A_183] : memref<4x2048x128xf32, #tpu.memory_space<hbm>> -> memref<1x64x128xf32, #tpu.memory_space<hbm>>
    %dma_wait3A_185 = tpu.memref_squeeze %dma_wait3A_184 : memref<1x64x128xf32, #tpu.memory_space<hbm>> -> memref<64x128xf32, #tpu.memory_space<hbm>>
    %dma_wait3A_186 = tpu.memref_slice %arg11[%dma_wait3A_178] : memref<2x!tpu.dma_semaphore, #tpu.memory_space<semaphore_mem>> -> memref<1x!tpu.dma_semaphore, #tpu.memory_space<semaphore_mem>>
    %dma_wait3A_187 = tpu.memref_squeeze %dma_wait3A_186 : memref<1x!tpu.dma_semaphore, #tpu.memory_space<semaphore_mem>> -> memref<!tpu.dma_semaphore, #tpu.memory_space<semaphore_mem>>
    %dma_wait3A_188 = arith.constant 0 : i32
    %dma_wait3A_189 = tpu.memref_slice %arg5[%dma_wait3A_177, %mul3A_2, %dma_wait3A_188] : memref<4x2048x128xf32, #tpu.memory_space<hbm>> -> memref<1x64x128xf32, #tpu.memory_space<hbm>>
    %dma_wait3A_190 = tpu.memref_squeeze %dma_wait3A_189 : memref<1x64x128xf32, #tpu.memory_space<hbm>> -> memref<64x128xf32, #tpu.memory_space<hbm>>
    %dma_wait3A_191 = arith.constant 64 : i32
    %dma_wait3A_192 = arith.constant 0 : i32
    %dma_wait3A_193 = tpu.memref_slice %arg7[%dma_wait3A_176, %dma_wait3A_191, %dma_wait3A_192] : memref<2x128x128xf32, #tpu.memory_space<vmem>> -> memref<1x64x128xf32, #tpu.memory_space<vmem>>
    %dma_wait3A_194 = tpu.memref_squeeze %dma_wait3A_193 : memref<1x64x128xf32, #tpu.memory_space<vmem>> -> memref<64x128xf32, #tpu.memory_space<vmem>>
    tpu.wait_dma2 semaphore(%dma_wait3A_187 : memref<!tpu.dma_semaphore, #tpu.memory_space<semaphore_mem>>) src(%dma_wait3A_194 : memref<64x128xf32, #tpu.memory_space<vmem>>) dst(%dma_wait3A_190 : memref<64x128xf32, #tpu.memory_space<hbm>>)
    %dma_wait3A_195 = arith.constant 1 : i32
    %dma_wait3A_196 = arith.constant 2 : i32
    %dma_wait3A_197 = arith.constant 1 : i32
    %dma_wait3A_198 = arith.constant 0 : i32
    %dma_wait3A_199 = arith.constant 0 : i32
    %dma_wait3A_200 = tpu.memref_slice %arg7[%dma_wait3A_195, %dma_wait3A_198, %dma_wait3A_199] : memref<2x128x128xf32, #tpu.memory_space<vmem>> -> memref<1x64x128xf32, #tpu.memory_space<vmem>>
    %dma_wait3A_201 = tpu.memref_squeeze %dma_wait3A_200 : memref<1x64x128xf32, #tpu.memory_space<vmem>> -> memref<64x128xf32, #tpu.memory_space<vmem>>
    %dma_wait3A_202 = arith.constant 0 : i32
    %dma_wait3A_203 = tpu.memref_slice %arg5[%dma_wait3A_196, %mul3A_2, %dma_wait3A_202] : memref<4x2048x128xf32, #tpu.memory_space<hbm>> -> memref<1x64x128xf32, #tpu.memory_space<hbm>>
    %dma_wait3A_204 = tpu.memref_squeeze %dma_wait3A_203 : memref<1x64x128xf32, #tpu.memory_space<hbm>> -> memref<64x128xf32, #tpu.memory_space<hbm>>
    %dma_wait3A_205 = tpu.memref_slice %arg11[%dma_wait3A_197] : memref<2x!tpu.dma_semaphore, #tpu.memory_space<semaphore_mem>> -> memref<1x!tpu.dma_semaphore, #tpu.memory_space<semaphore_mem>>
    %dma_wait3A_206 = tpu.memref_squeeze %dma_wait3A_205 : memref<1x!tpu.dma_semaphore, #tpu.memory_space<semaphore_mem>> -> memref<!tpu.dma_semaphore, #tpu.memory_space<semaphore_mem>>
    %dma_wait3A_207 = arith.constant 0 : i32
    %dma_wait3A_208 = tpu.memref_slice %arg5[%dma_wait3A_196, %mul3A_2, %dma_wait3A_207] : memref<4x2048x128xf32, #tpu.memory_space<hbm>> -> memref<1x64x128xf32, #tpu.memory_space<hbm>>
    %dma_wait3A_209 = tpu.memref_squeeze %dma_wait3A_208 : memref<1x64x128xf32, #tpu.memory_space<hbm>> -> memref<64x128xf32, #tpu.memory_space<hbm>>
    %dma_wait3A_210 = arith.constant 0 : i32
    %dma_wait3A_211 = arith.constant 0 : i32
    %dma_wait3A_212 = tpu.memref_slice %arg7[%dma_wait3A_195, %dma_wait3A_210, %dma_wait3A_211] : memref<2x128x128xf32, #tpu.memory_space<vmem>> -> memref<1x64x128xf32, #tpu.memory_space<vmem>>
    %dma_wait3A_213 = tpu.memref_squeeze %dma_wait3A_212 : memref<1x64x128xf32, #tpu.memory_space<vmem>> -> memref<64x128xf32, #tpu.memory_space<vmem>>
    tpu.wait_dma2 semaphore(%dma_wait3A_206 : memref<!tpu.dma_semaphore, #tpu.memory_space<semaphore_mem>>) src(%dma_wait3A_213 : memref<64x128xf32, #tpu.memory_space<vmem>>) dst(%dma_wait3A_209 : memref<64x128xf32, #tpu.memory_space<hbm>>)
    %dma_wait3A_214 = arith.constant 1 : i32
    %dma_wait3A_215 = arith.constant 3 : i32
    %dma_wait3A_216 = arith.constant 1 : i32
    %dma_wait3A_217 = arith.constant 64 : i32
    %dma_wait3A_218 = arith.constant 0 : i32
    %dma_wait3A_219 = tpu.memref_slice %arg7[%dma_wait3A_214, %dma_wait3A_217, %dma_wait3A_218] : memref<2x128x128xf32, #tpu.memory_space<vmem>> -> memref<1x64x128xf32, #tpu.memory_space<vmem>>
    %dma_wait3A_220 = tpu.memref_squeeze %dma_wait3A_219 : memref<1x64x128xf32, #tpu.memory_space<vmem>> -> memref<64x128xf32, #tpu.memory_space<vmem>>
    %dma_wait3A_221 = arith.constant 0 : i32
    %dma_wait3A_222 = tpu.memref_slice %arg5[%dma_wait3A_215, %mul3A_2, %dma_wait3A_221] : memref<4x2048x128xf32, #tpu.memory_space<hbm>> -> memref<1x64x128xf32, #tpu.memory_space<hbm>>
    %dma_wait3A_223 = tpu.memref_squeeze %dma_wait3A_222 : memref<1x64x128xf32, #tpu.memory_space<hbm>> -> memref<64x128xf32, #tpu.memory_space<hbm>>
    %dma_wait3A_224 = tpu.memref_slice %arg11[%dma_wait3A_216] : memref<2x!tpu.dma_semaphore, #tpu.memory_space<semaphore_mem>> -> memref<1x!tpu.dma_semaphore, #tpu.memory_space<semaphore_mem>>
    %dma_wait3A_225 = tpu.memref_squeeze %dma_wait3A_224 : memref<1x!tpu.dma_semaphore, #tpu.memory_space<semaphore_mem>> -> memref<!tpu.dma_semaphore, #tpu.memory_space<semaphore_mem>>
    %dma_wait3A_226 = arith.constant 0 : i32
    %dma_wait3A_227 = tpu.memref_slice %arg5[%dma_wait3A_215, %mul3A_2, %dma_wait3A_226] : memref<4x2048x128xf32, #tpu.memory_space<hbm>> -> memref<1x64x128xf32, #tpu.memory_space<hbm>>
    %dma_wait3A_228 = tpu.memref_squeeze %dma_wait3A_227 : memref<1x64x128xf32, #tpu.memory_space<hbm>> -> memref<64x128xf32, #tpu.memory_space<hbm>>
    %dma_wait3A_229 = arith.constant 64 : i32
    %dma_wait3A_230 = arith.constant 0 : i32
    %dma_wait3A_231 = tpu.memref_slice %arg7[%dma_wait3A_214, %dma_wait3A_229, %dma_wait3A_230] : memref<2x128x128xf32, #tpu.memory_space<vmem>> -> memref<1x64x128xf32, #tpu.memory_space<vmem>>
    %dma_wait3A_232 = tpu.memref_squeeze %dma_wait3A_231 : memref<1x64x128xf32, #tpu.memory_space<vmem>> -> memref<64x128xf32, #tpu.memory_space<vmem>>
    tpu.wait_dma2 semaphore(%dma_wait3A_225 : memref<!tpu.dma_semaphore, #tpu.memory_space<semaphore_mem>>) src(%dma_wait3A_232 : memref<64x128xf32, #tpu.memory_space<vmem>>) dst(%dma_wait3A_228 : memref<64x128xf32, #tpu.memory_space<hbm>>)
    return
  }
}

</mosaic_0001>

<sc_bundles>
// kernel: _emb_call.3.cloned.1.call-start
scs
__scs_entry_jumppad:
0x0: {  	(pc) =	sbr.rel $0x88, $3  }
0x1: {  	(tag) =	ssettag $0x0;
	lr =	simm.s32 $0x1  }
0x2: {  	[smem:$0x3F9E] =	sst lr;
	_ =	strace $0xD0000000  }
0x3: {  	_ = 	snop  }
0x4: {  	_ = 	snop  }
0x5: {  	_ = 	snop  }
0x6: {  	_ = 	snop  }
0x7: {  	_ = 	snop  }
__scs_overlays_trampoline_lowered:
0x8: {  	[smem:$0x3FAD] =	sst s0  }
0x9: {  	[smem:$0x3FAE] =	sst s1  }
0xa: {  	[smem:$0x3FAF] =	sst s2  }
0xb: {  	[smem:$0x3FB0] =	sst s3  }
0xc: {  	[smem:$0x3FB1] =	sst s4  }
0xd: {  	[smem:$0x3FB2] =	sst s5  }
0xe: {  	[smem:$0x3FB3] =	sst s6  }
0xf: {  	[smem:$0x3FB4] =	sst s7  }
0x10: {  	[smem:$0x3FB5] =	sst s8  }
0x11: {  	[smem:$0x3FB6] =	sst s9;
	s0 =	simm.s32 @!p0 $0x0  }
0x12: {  	s1 =	sld [smem:$0x3F9C];
	s0 =	simm.s32 @p0 $0x1  }
0x13: {  	[smem:$0x3FB7] =	sst s0;
	s0 =	simm.s32 @!p1 $0x0  }
0x14: {  	s2 =	sld [smem:$0x3F9B];
	s0 =	simm.s32 @p1 $0x1  }
0x15: {  	[smem:$0x3FB8] =	sst s0;
	s0 =	simm.s32 @!p2 $0x0  }
0x16: {  	s3 =	sld [smem:$0x3FDB];
	s0 =	simm.s32 @p2 $0x1  }
0x17: {  	s4 =	simm.s32 $0x1BF5;
	[smem:$0x3FBA] =	sst s0  }
0x18: {  	s0 =	sld [smem:$0x3F9D];
	_ =	swait.ge [sflag:s4], $0x0  }
0x19: {  	s7 =	sld [smem:$0x3F9E]  }
0x1a: {  	s8 =	sadd.s32 $0xFFFFE003, lr  }
0x1b: {  	s9 =	sadd.s32 $0xFFFFFEF7, lr;
	s5 =	simm.s32 $0xFFFFFFFF;
	p2 =	slt.u32 s8, $0xFFFFF086  }
0x1c: {  	p1 =	slt.u32 s9, $0xF7A;
	s5 =	simm.s32 @!p2 $0x0  }
0x1d: {  	s5 =	simm.s32 @p1 $0x1;
	p0 =	seq.s32 s7, s2  }
0x1e: {  	s7 =	smul.u32 @!p0 $0xF7A, s2;
	p2 =	seq.s32 @!p0 s5, $0x0  }
0x1f: {  	s9 =	smul.u32 $0xF7A, s1;
	s8 =	simm.s32 @!p0 $0x1BF5;
	p2 =	por !p2, p0  }
0x20: {  	[sflag:s8] =	ssyncset.s32 @!p0 $0xFFFFF086;
	s6 =	sadd.s32 @!p0 s3, s7;
	s7 =	simm.s32 @!p0 $0x108  }
0x21: {  	s3 =	sadd.s32 s3, s9;
	s6 =	sadd.s32 @!p0 $0x88, s6;
	s7 =	simm.s32 @p2 $0x1082  }
0x22: {  	[simem:s7], [sflag:s8] =	dma.local @!p0 [hbm:s6], $0xF7A  }
0x23: {  	s9 =	sor.u32 $0xD0000000, s2;
	s6 =	simm.s32 $0x108;
	_ =	swait.ge @!p0 [sflag:s8], $0x0  }
0x24: {  	s3 =	sadd.s32 $0x88, s3;
	s6 =	simm.s32 @!p1 $0x1082;
	[sflag:s4] =	ssyncset.s32 $0xFFFFF086  }
0x25: {  	[simem:s6], [sflag:s4] =	dma.local [hbm:s3], $0xF7A  }
0x26: {  	[smem:$0x3F9E] =	sst s1;
	(tag) =	ssettag s2;
	_ =	strace s9  }
0x27: {  	s1 =	sld [smem:$0x3FAE]  }
0x28: {  	s2 =	sld [smem:$0x3FAF]  }
0x29: {  	s4 =	sld [smem:$0x3FB1]  }
0x2a: {  	p0 =	seq.s32 s5, $0x0;
	s5 =	sld [smem:$0x3FB2]  }
0x2b: {  	s6 =	sld [smem:$0x3FB3]  }
0x2c: {  	s7 =	sld [smem:$0x3FB4]  }
0x2d: {  	s3 =	simm.s32 $0x108;
	s8 =	sld [smem:$0x3FB5]  }
0x2e: {  	s3 =	simm.s32 @!p0 $0x1082;
	s9 =	sld [smem:$0x3FB6]  }
0x2f: {  	lr =	sadd.s32 s0, s3;
	s0 =	sld [smem:$0x3FAD]  }
0x30: {  	s3 =	sld [smem:$0x3FB0]  }
0x31: {  	[smem:$0x3FB9] =	sst s10  }
0x32: {  	s10 =	sld [smem:$0x3FB7];
	_ =	sdelay $0x3  }
0x33: {  	p0 =	seq.s32 s10, $0x1;
	s10 =	sld [smem:$0x3FB9];
	_ =	sdelay $0x3  }
0x34: {  	[smem:$0x3FB9] =	sst s10  }
0x35: {  	s10 =	sld [smem:$0x3FB8];
	_ =	sdelay $0x3  }
0x36: {  	p1 =	seq.s32 s10, $0x1;
	s10 =	sld [smem:$0x3FB9];
	_ =	sdelay $0x3  }
0x37: {  	[smem:$0x3FB9] =	sst s10  }
0x38: {  	s10 =	sld [smem:$0x3FBA]  }
0x39: {  	_ = 	snop;
	(pc) =	sbr.ind lr, $3  }
0x3a: {  	_ = 	snop  }
0x3b: {  	_ = 	snop  }
0x3c: {  	p2 =	seq.s32 s10, $0x1;
	s10 =	sld [smem:$0x3FB9]  }
0x3d: {  	_ =	shalt  }
0x3e: {  	_ =	shalt  }
0x3f: {  	_ =	shalt  }
0x40: {  	_ =	shalt  }
0x41: {  	_ =	shalt  }
0x42: {  	_ =	shalt  }
0x43: {  	_ =	shalt  }
0x44: {  	_ =	shalt  }
0x45: {  	_ =	shalt  }
0x46: {  	_ =	shalt  }
0x47: {  	_ =	shalt  }
0x48: {  	_ =	shalt  }
0x49: {  	_ =	shalt  }
0x4a: {  	_ =	shalt  }
0x4b: {  	_ =	shalt  }
0x4c: {  	_ =	shalt  }
0x4d: {  	_ =	shalt  }
0x4e: {  	_ =	shalt  }
0x4f: {  	_ =	shalt  }
0x50: {  	_ =	shalt  }
0x51: {  	_ =	shalt  }
0x52: {  	_ =	shalt  }
0x53: {  	_ =	shalt  }
0x54: {  	_ =	shalt  }
0x55: {  	_ =	shalt  }
0x56: {  	_ =	shalt  }
0x57: {  	_ =	shalt  }
0x58: {  	_ =	shalt  }
0x59: {  	_ =	shalt  }
0x5a: {  	_ =	shalt  }
0x5b: {  	_ =	shalt  }
0x5c: {  	_ =	shalt  }
0x5d: {  	_ =	shalt  }
0x5e: {  	_ =	shalt  }
0x5f: {  	_ =	shalt  }
0x60: {  	_ =	shalt  }
0x61: {  	_ =	shalt  }
0x62: {  	_ =	shalt  }
0x63: {  	_ =	shalt  }
0x64: {  	_ =	shalt  }
0x65: {  	_ =	shalt  }
0x66: {  	_ =	shalt  }
0x67: {  	_ =	shalt  }
0x68: {  	_ =	shalt  }
0x69: {  	_ =	shalt  }
0x6a: {  	_ =	shalt  }
0x6b: {  	_ =	shalt  }
0x6c: {  	_ =	shalt  }
0x6d: {  	_ =	shalt  }
0x6e: {  	_ =	shalt  }
0x6f: {  	_ =	shalt  }
0x70: {  	_ =	shalt  }
0x71: {  	_ =	shalt  }
0x72: {  	_ =	shalt  }
0x73: {  	_ =	shalt  }
0x74: {  	_ =	shalt  }
0x75: {  	_ =	shalt  }
0x76: {  	_ =	shalt  }
0x77: {  	_ =	shalt  }
0x78: {  	_ =	shalt  }
0x79: {  	_ =	shalt  }
0x7a: {  	_ =	shalt  }
0x7b: {  	_ =	shalt  }
0x7c: {  	_ =	shalt  }
0x7d: {  	_ =	shalt  }
0x7e: {  	_ =	shalt  }
0x7f: {  	_ =	shalt  }
0x80: {  	_ =	shalt  }
0x81: {  	_ =	shalt  }
0x82: {  	_ =	shalt  }
0x83: {  	_ =	shalt  }
0x84: {  	_ =	shalt  }
0x85: {  	_ =	shalt  }
0x86: {  	_ =	shalt  }
0x87: {  	_ =	shalt  }
.Lfunc_end0:
.L_simem_size_0:
called_computation_lowered:
.L_overlay_start_0:
0x88: {  	s2 =	sld [smem:$0x3FD9]  }
0x89: {  	s3 =	sld [smem:$0x3FFE];
	_ =	sdelay $0x1  }
0x8a: {  	s1 =	srdreg.scid  }
0x8b: {  	s0 =	sand.u32 $0x1, s1  }
0x8c: {  	s18 =	sshll.u32 s0, $0xA;
	s2 =	sadd.s32 s3, s2  }
0x8d: {  	s2 =	sadd.s32 s2, s18  }
0x8e: {  	[smem:$0x3FC5] =	sst s2  }
0x8f: {  	_ = 	snop  }
0x90: {  	s2 =	sld [smem:$0x3FC9]  }
0x91: {  	s19 =	sld [smem:$0x3FC8]  }
0x92: {  	s4 =	sld [smem:$0x3FC7]  }
0x93: {  	s5 =	sld [smem:$0x3FD0];
	(tm) =	ssettm $0x1  }
0x94: {  	s6 =	sld [smem:$0x3FFB];
	_ =	sdelay $0x3  }
0x95: {  	_ =	strace s6  }
0x96: {  	s6 =	sld [smem:$0x3FFC];
	_ =	sdelay $0x3  }
0x97: {  	_ =	strace s6  }
0x98: {  	s6 =	sld [smem:$0x3FFD];
	_ =	sdelay $0x3  }
0x99: {  	_ =	strace s6  }
0x9a: {  	_ =	strace $0x8FFFFFFF  }
0x9b: {  	s20 =	sld [smem:$0x3FDB];
	_ =	sdelay $0x1  }
0x9c: {  	s7 =	simm.s32 $_scs_section_size  }
0x9d: {  	s8 =	simm.s32 $_size__tile_overlayer_lowered;
	s9 =	simm.s32 $_tile_overlayer_lowered  }
0x9e: {  	s23 =	simm.s32 $0x1BFF;
	s22 =	sshll.u32 s9, $0x1;
	s6 =	sadd.s32 s7, s20  }
0x9f: {  	s10 =	simm.s32 $0x0;
	s21 =	sshll.u32 s8, $0x1;
	s8 =	sadd.s32 s22, s6  }
0xa0: {  	[timem:s10], [sflag:s23] =	dma.local [hbm:s8], s21  }
0xa1: {  	_ =	swait.ge [sflag:s23], s21  }
0xa2: {  	s7 =	ssub.s32 $0x0, s21;
	[sflag:s23] =	ssyncset.done $0x0  }
0xa3: {  	[sflag:s23] =	ssyncadd.s32 s7;
	_ =	sdelay $0x1  }
0xa4: {  	s24 =	simm.s32 $0x1B8B  }
0xa5: {  	_ =	swait.ge [sflag:s24], $0x1  }
0xa6: {  	[sflag:s24] =	ssyncset.done $0x0  }
0xa7: {  	s25 =	simm.s32 $0x1B8E;
	[sflag:s24] =	ssyncadd.s32 $0xFFFFFFFF  }
0xa8: {  	s26 =	simm.s32 $execute0_lowered;
	[smem:$0x3FD2] =	sst s25  }
0xa9: {  	s7 =	sshll.u32 s26, $0x1;
	_ =	strace $0x80000046;
	[dreg:$0x1] =	wrdreg $0xFFFFFFFF  }
0xaa: {  	s28 =	simm.s32 $_size_execute0_lowered;
	s6 =	sadd.s32 s6, s7;
	[dreg:$0x0] =	wrdreg $0x0  }
0xab: {  	s7 =	sshll.u32 s28, $0x1;
	[dreg:$0x2] =	wrdreg s6  }
0xac: {  	[dreg:$0x3] =	wrdreg s7  }
0xad: {  	[dreg:$0x4] =	wrdreg $0xC0  }
0xae: {  	_ =	task [dreg:s10], $0x5FFFF  }
0xaf: {  	[dreg:$0x1] =	wrdreg $0xFFFFFFFF  }
0xb0: {  	[dreg:$0x0] =	wrdreg $0x60  }
0xb1: {  	[dreg:$0x2] =	wrdreg s2  }
0xb2: {  	[dreg:$0x3] =	wrdreg s4  }
0xb3: {  	[dreg:$0x4] =	wrdreg s19  }
0xb4: {  	[dreg:$0x5] =	wrdreg s5  }
0xb5: {  	[dreg:$0x6] =	wrdreg $0x9  }
0xb6: {  	_ =	task.clear_ibuf [dreg:s10], $0x7FFFF;
	_ =	strace $0x90000046  }
0xb7: {  	s29 =	simm.s32 $0x9;
	_ =	strace $0x80000048  }
0xb8: {  	_ =	swait.ge [sflag:s29], $0x1  }
0xb9: {  	[sflag:s29] =	ssyncadd.s32 $0xFFFFFFFF  }
0xba: {  	_ =	strace $0x90000048  }
0xbb: {  	_ =	sfence  }
0xbc: {  	s30 =	sld [smem:$0x0];
	_ =	sdelay $0x2  }
0xbd: {  	s31 =	sshll.u32 s1, $0xD;
	s1 =	sshrl.u32 s1, $0x2  }
0xbe: {  	s3 =	sand.u32 $0x4000, s31;
	s1 =	sadd.s32 s1, s30  }
0xbf: {  	s0 =	sor.u32 s3, s0;
	s1 =	sshll.u32 s1, $0x11  }
0xc0: {  	s0 =	sor.u32 s1, s0  }
0xc1: {  	s0 =	sadd.s32 $0x8F2B, s0  }
0xc2: {  	[sflag:s0] =	ssyncadd.remote.s32 $0x1  }
0xc3: {  	_ =	sfence.sel $0xFFFF  }
0xc4: {  	[dreg:$0x0] =	wrdreg $0xFFFFFFFF;
	(pc) =	sbr.abs _section_cstart, $3  }
0xc5: {  	[dreg:$0x1] =	wrdreg $0xFFFFFFFF  }
0xc6: {  	_ =	task.clear_ibuf [dreg:s10], $0x2FFFF;
	_ =	strace $0x9FFFFFFF  }
0xc7: {  	(tm) =	ssettm $0x7FFFFFFF  }
tec
execute0_lowered:
.L_overlay_start_1:
0x0: {  	(tag) =	ssettag $0x1  }
0x1: {  	s9 =	rddreg [dreg:$0x0]  }
0x2: {  	s5 =	rddreg [dreg:$0x1]  }
0x3: {  	s1 =	srdreg.scid;
	s2 =	rddreg [dreg:$0x2]  }
0x4: {  	s0 =	stileid.u32;
	s7 =	rddreg [dreg:$0x3]  }
0x5: {  	s3 =	simm.s32 $0x0;
	s14 =	simm.s32 $0x8100;
	s15 =	simm.s32 $0x6  }
0x6: {  	s16 =	simm.s32 $0x40;
	s17 =	simm.s32 $0x80;
	s18 =	simm.s32 $0x100  }
0x7: {  	s19 =	simm.s32 $0xC0;
	s20 =	simm.s32 $0x4100;
	s21 =	simm.s32 $0x1  }
0x8: {  	s22 =	simm.s32 $0x2;
	s23 =	simm.s32 $0x2100;
	s24 =	simm.s32 $0x3  }
0x9: {  	s25 =	simm.s32 $0x6100;
	s28 =	simm.s32 $0x5;
	s29 =	simm.s32 $0x0  }
0xa: {  	s4 =	sand.u32 $0x1, s1;
	s26 =	sshll.u32 s0, $0x7;
	s1 =	rddreg [dreg:$0x4]  }
0xb: {  	[smem:$0x7FF] =	sst s3;
	s6 =	sshll.u32 s4, $0x6;
	s4 =	ssub.s32 $0x2, s4  }
0xc: {  	_ =	strace $0x80000047;
	s8 =	sor.u32 s6, s26;
	s12 =	sshrl.u32 s4, $0x1  }
0xd: {  	s26 =	simm.s32 $0x4;
	s10 =	sshll.u32 s8, $0x2;
	s13 =	ssub.s32 s4, s12  }
0xe: {  	s8 =	sshll.u32 s8, $0x4;
	s11 =	sand.u32 $0x1E00, s10;
	s10 =	sor.u32 s6, s10  }
0xf: {  	s5 =	sadd.s32 s5, s8;
	s7 =	sadd.s32 s7, s8;
	s13 =	smax.u32 s13, $0x1  }
0x10: {  	s11 =	sor.u32 s6, s11;
	s10 =	sshrl.u32 s10, $0x3;
	s12 =	sadd.s32 $0x18000, s7  }
0x11: {  	s30 =	sshrl.u32 s11, $0x3;
	s31 =	sor.u32 $0x20, s10;
	s10 =	sor.u32 $0x30, s10  }
0x12: {  	s11 =	sadd.s32 $0x10000, s7;
	s4 =	sadd.s32 s9, s30;
	s8 =	sadd.s32 s9, s31  }
0x13: {  	s9 =	sadd.s32 s9, s10;
	s10 =	sadd.s32 $0x8000, s7;
	s6 =	sadd.s32 $0x10, s4  }
.LBB2_1:
0x14: {  	[tilespmem:s14], [sflag:$0x1] =	stream.linear.gather [hbm4b:s5+s3], $0x2000, $0x38;
	[tilespmem:$0xA100] =	vst v63  }
0x15: {  	_ = 	snop  }
0x16: {  	[tilespmem:s3], [sflag:$0x6] =	stream.linear.gather [hbm4b:s4+s3], $0x40, $0x38;
	[tilespmem:$0xA100] =	vst v63  }
0x17: {  	_ =	swait.ge [sflag:s15], $0x40  }
0x18: {  	[sflag:s15] =	ssyncset.done $0x0  }
0x19: {  	[sflag:s15] =	ssyncadd.s32 $0xFFFFFFC0  }
0x1a: {  	[tilespmem:s16], [sflag:$0x6] =	stream.linear.gather [hbm4b:s6+s3], $0x40, $0x38;
	[tilespmem:$0xA100] =	vst v63  }
0x1b: {  	_ =	swait.ge [sflag:s15], $0x40  }
0x1c: {  	[sflag:s15] =	ssyncset.done $0x0  }
0x1d: {  	[sflag:s15] =	ssyncadd.s32 $0xFFFFFFC0  }
0x1e: {  	[tilespmem:s18], [sflag:$0x2] =	stream.indirect.gather [hbm4b:s2+s17], $0x80, s3, s17, $0xb8;
	[tilespmem:$0xA100] =	vst v63  }
0x1f: {  	_ = 	snop  }
0x20: {  	[tilespmem:s17], [sflag:$0x6] =	stream.linear.gather [hbm4b:s8+s3], $0x40, $0x38;
	[tilespmem:$0xA100] =	vst v63  }
0x21: {  	_ =	swait.ge [sflag:s15], $0x40  }
0x22: {  	[sflag:s15] =	ssyncset.done $0x0  }
0x23: {  	[sflag:s15] =	ssyncadd.s32 $0xFFFFFFC0  }
0x24: {  	[tilespmem:s19], [sflag:$0x6] =	stream.linear.gather [hbm4b:s9+s3], $0x40, $0x38;
	[tilespmem:$0xA100] =	vst v63  }
0x25: {  	_ =	swait.ge [sflag:s15], $0x40  }
0x26: {  	[sflag:s15] =	ssyncset.done $0x0  }
0x27: {  	[sflag:s15] =	ssyncadd.s32 $0xFFFFFFC0  }
0x28: {  	[tilespmem:s20], [sflag:$0x3] =	stream.indirect.gather [hbm4b:s2+s17], $0x80, s17, s17, $0xb8;
	[tilespmem:$0xA100] =	vst v63  }
0x29: {  	_ =	swait.ge [sflag:s21], $0x2000  }
0x2a: {  	[sflag:s21] =	ssyncset.done $0x0  }
0x2b: {  	[sflag:s21] =	ssyncadd.s32 $0xFFFFE000  }
0x2c: {  	_ =	swait.ge [sflag:s22], $0x4000  }
0x2d: {  	[sflag:s22] =	ssyncset.done $0x0  }
0x2e: {  	s30 =	simm.s32 $0x0;
	s31 =	simm.s32 $0x200;
	[sflag:s22] =	ssyncadd.s32 $0xFFFFC000  }
.LBB2_2:
0x2f: {  	p0 =	sne.s32 s31, $0x7E00;
	v0 =	vld [tilespmem:s30+$0x8170]  }
0x30: {  	v1 =	vld [tilespmem:s30+$0x8100]  }
0x31: {  	v2 =	vld [tilespmem:s30+$0x8110]  }
0x32: {  	v3 =	vld [tilespmem:s30+$0x8120]  }
0x33: {  	v4 =	vld [tilespmem:s30+$0x8130]  }
0x34: {  	[tilespmem:s30+$0x2170] =	vst.add.f32.msk $0xffff, v0  }
0x35: {  	v5 =	vld [tilespmem:s30+$0x8140]  }
0x36: {  	v6 =	vld [tilespmem:s30+$0x8150]  }
0x37: {  	v7 =	vld [tilespmem:s30+$0x8160]  }
0x38: {  	[tilespmem:s30+$0x100] =	vst.add.f32.msk $0xffff, v1  }
0x39: {  	[tilespmem:s30+$0x2100] =	vst.add.f32.msk $0xffff, v1  }
0x3a: {  	[tilespmem:s30+$0x110] =	vst.add.f32.msk $0xffff, v2  }
0x3b: {  	[tilespmem:s30+$0x2110] =	vst.add.f32.msk $0xffff, v2  }
0x3c: {  	[tilespmem:s30+$0x120] =	vst.add.f32.msk $0xffff, v3  }
0x3d: {  	[tilespmem:s30+$0x2120] =	vst.add.f32.msk $0xffff, v3  }
0x3e: {  	[tilespmem:s30+$0x130] =	vst.add.f32.msk $0xffff, v4  }
0x3f: {  	[tilespmem:s30+$0x2130] =	vst.add.f32.msk $0xffff, v4  }
0x40: {  	[tilespmem:s30+$0x140] =	vst.add.f32.msk $0xffff, v5  }
0x41: {  	[tilespmem:s30+$0x2140] =	vst.add.f32.msk $0xffff, v5  }
.Ltmp0:
0x42: {  	[tilespmem:s30+$0x150] =	vst.add.f32.msk $0xffff, v6;
	(pc) =	sbr.rel @p0 .LBB2_2-.Ltmp0, $4  }
0x43: {  	[tilespmem:s30+$0x2150] =	vst.add.f32.msk $0xffff, v6  }
0x44: {  	[tilespmem:s30+$0x160] =	vst.add.f32.msk $0xffff, v7  }
0x45: {  	[tilespmem:s30+$0x2160] =	vst.add.f32.msk $0xffff, v7  }
0x46: {  	[tilespmem:s30+$0x170] =	vst.add.f32.msk $0xffff, v0;
	s30 =	sshra.s32 s31, $0x2;
	s31 =	sadd.s32 $0x200, s31  }
0x47: {  	v0 =	vld [tilespmem:s30+$0x8170]  }
0x48: {  	v1 =	vld [tilespmem:s30+$0x8100]  }
0x49: {  	v2 =	vld [tilespmem:s30+$0x8110]  }
0x4a: {  	v3 =	vld [tilespmem:s30+$0x8120]  }
0x4b: {  	v4 =	vld [tilespmem:s30+$0x8130]  }
0x4c: {  	v5 =	vld [tilespmem:s30+$0x8140]  }
0x4d: {  	v6 =	vld [tilespmem:s30+$0x8150]  }
0x4e: {  	v7 =	vld [tilespmem:s30+$0x8160]  }
0x4f: {  	[tilespmem:s30+$0x2170] =	vst.add.f32.msk $0xffff, v0  }
0x50: {  	[tilespmem:s30+$0x100] =	vst.add.f32.msk $0xffff, v1  }
0x51: {  	[tilespmem:s30+$0x2100] =	vst.add.f32.msk $0xffff, v1  }
0x52: {  	[tilespmem:s30+$0x110] =	vst.add.f32.msk $0xffff, v2  }
0x53: {  	[tilespmem:s30+$0x2110] =	vst.add.f32.msk $0xffff, v2  }
0x54: {  	[tilespmem:s30+$0x120] =	vst.add.f32.msk $0xffff, v3  }
0x55: {  	[tilespmem:s30+$0x2120] =	vst.add.f32.msk $0xffff, v3  }
0x56: {  	[tilespmem:s30+$0x130] =	vst.add.f32.msk $0xffff, v4  }
0x57: {  	[tilespmem:s30+$0x2130] =	vst.add.f32.msk $0xffff, v4  }
0x58: {  	[tilespmem:s30+$0x140] =	vst.add.f32.msk $0xffff, v5  }
0x59: {  	[tilespmem:s30+$0x2140] =	vst.add.f32.msk $0xffff, v5  }
0x5a: {  	[tilespmem:s30+$0x150] =	vst.add.f32.msk $0xffff, v6  }
0x5b: {  	[tilespmem:s30+$0x2150] =	vst.add.f32.msk $0xffff, v6  }
0x5c: {  	[tilespmem:s30+$0x160] =	vst.add.f32.msk $0xffff, v7  }
0x5d: {  	[tilespmem:s30+$0x2160] =	vst.add.f32.msk $0xffff, v7  }
0x5e: {  	[tilespmem:s30+$0x170] =	vst.add.f32.msk $0xffff, v0;
	s30 =	simm.s32 $0x0  }
0x5f: {  	[hbm4b:s7+s30] =	stream.linear.scatter [tilespmem:s18], [sflag:$0x4], $0x2000, $0x38;
	[tilespmem:$0xA100] =	vst v63  }
0x60: {  	_ = 	snop  }
0x61: {  	[hbm4b:s10+s30] =	stream.linear.scatter [tilespmem:s23], [sflag:$0x4], $0x2000, $0x38;
	[tilespmem:$0xA100] =	vst v63  }
0x62: {  	_ =	swait.ge [sflag:s24], $0x4000  }
0x63: {  	[sflag:s24] =	ssyncset.done $0x0  }
0x64: {  	s31 =	simm.s32 $0x200;
	s30 =	simm.s32 $0x0;
	[sflag:s24] =	ssyncadd.s32 $0xFFFFC000  }
.LBB2_4:
0x65: {  	p0 =	sne.s32 s31, $0x7E00;
	v0 =	vld [tilespmem:s30+$0x8170]  }
0x66: {  	v1 =	vld [tilespmem:s30+$0x8100]  }
0x67: {  	v2 =	vld [tilespmem:s30+$0x8110]  }
0x68: {  	v3 =	vld [tilespmem:s30+$0x8120]  }
0x69: {  	v4 =	vld [tilespmem:s30+$0x8130]  }
0x6a: {  	[tilespmem:s30+$0x6170] =	vst.add.f32.msk $0xffff, v0  }
0x6b: {  	v5 =	vld [tilespmem:s30+$0x8140]  }
0x6c: {  	v6 =	vld [tilespmem:s30+$0x8150]  }
0x6d: {  	v7 =	vld [tilespmem:s30+$0x8160]  }
0x6e: {  	[tilespmem:s30+$0x4100] =	vst.add.f32.msk $0xffff, v1  }
0x6f: {  	[tilespmem:s30+$0x6100] =	vst.add.f32.msk $0xffff, v1  }
0x70: {  	[tilespmem:s30+$0x4110] =	vst.add.f32.msk $0xffff, v2  }
0x71: {  	[tilespmem:s30+$0x6110] =	vst.add.f32.msk $0xffff, v2  }
0x72: {  	[tilespmem:s30+$0x4120] =	vst.add.f32.msk $0xffff, v3  }
0x73: {  	[tilespmem:s30+$0x6120] =	vst.add.f32.msk $0xffff, v3  }
0x74: {  	[tilespmem:s30+$0x4130] =	vst.add.f32.msk $0xffff, v4  }
0x75: {  	[tilespmem:s30+$0x6130] =	vst.add.f32.msk $0xffff, v4  }
0x76: {  	[tilespmem:s30+$0x4140] =	vst.add.f32.msk $0xffff, v5  }
0x77: {  	[tilespmem:s30+$0x6140] =	vst.add.f32.msk $0xffff, v5  }
.Ltmp1:
0x78: {  	[tilespmem:s30+$0x4150] =	vst.add.f32.msk $0xffff, v6;
	(pc) =	sbr.rel @p0 .LBB2_4-.Ltmp1, $4  }
0x79: {  	[tilespmem:s30+$0x6150] =	vst.add.f32.msk $0xffff, v6  }
0x7a: {  	[tilespmem:s30+$0x4160] =	vst.add.f32.msk $0xffff, v7  }
0x7b: {  	[tilespmem:s30+$0x6160] =	vst.add.f32.msk $0xffff, v7  }
0x7c: {  	[tilespmem:s30+$0x4170] =	vst.add.f32.msk $0xffff, v0;
	s30 =	sshra.s32 s31, $0x2;
	s31 =	sadd.s32 $0x200, s31  }
0x7d: {  	v0 =	vld [tilespmem:s30+$0x8170]  }
0x7e: {  	v1 =	vld [tilespmem:s30+$0x8100]  }
0x7f: {  	v2 =	vld [tilespmem:s30+$0x8110]  }
0x80: {  	v3 =	vld [tilespmem:s30+$0x8120]  }
0x81: {  	v4 =	vld [tilespmem:s30+$0x8130]  }
0x82: {  	v5 =	vld [tilespmem:s30+$0x8140]  }
0x83: {  	v6 =	vld [tilespmem:s30+$0x8150]  }
0x84: {  	v7 =	vld [tilespmem:s30+$0x8160]  }
0x85: {  	[tilespmem:s30+$0x6170] =	vst.add.f32.msk $0xffff, v0  }
0x86: {  	[tilespmem:s30+$0x4100] =	vst.add.f32.msk $0xffff, v1  }
0x87: {  	[tilespmem:s30+$0x6100] =	vst.add.f32.msk $0xffff, v1  }
0x88: {  	[tilespmem:s30+$0x4110] =	vst.add.f32.msk $0xffff, v2  }
0x89: {  	[tilespmem:s30+$0x6110] =	vst.add.f32.msk $0xffff, v2  }
0x8a: {  	[tilespmem:s30+$0x4120] =	vst.add.f32.msk $0xffff, v3  }
0x8b: {  	[tilespmem:s30+$0x6120] =	vst.add.f32.msk $0xffff, v3  }
0x8c: {  	[tilespmem:s30+$0x4130] =	vst.add.f32.msk $0xffff, v4  }
0x8d: {  	[tilespmem:s30+$0x6130] =	vst.add.f32.msk $0xffff, v4  }
0x8e: {  	[tilespmem:s30+$0x4140] =	vst.add.f32.msk $0xffff, v5  }
0x8f: {  	[tilespmem:s30+$0x6140] =	vst.add.f32.msk $0xffff, v5  }
0x90: {  	[tilespmem:s30+$0x4150] =	vst.add.f32.msk $0xffff, v6  }
0x91: {  	[tilespmem:s30+$0x6150] =	vst.add.f32.msk $0xffff, v6  }
0x92: {  	[tilespmem:s30+$0x4160] =	vst.add.f32.msk $0xffff, v7  }
0x93: {  	[tilespmem:s30+$0x6160] =	vst.add.f32.msk $0xffff, v7  }
0x94: {  	[tilespmem:s30+$0x4170] =	vst.add.f32.msk $0xffff, v0  }
0x95: {  	[hbm4b:s11+s3] =	stream.linear.scatter [tilespmem:s20], [sflag:$0x5], $0x2000, $0x38;
	[tilespmem:$0xA100] =	vst v63  }
0x96: {  	_ = 	snop  }
0x97: {  	[hbm4b:s12+s3] =	stream.linear.scatter [tilespmem:s25], [sflag:$0x5], $0x2000, $0x38;
	[tilespmem:$0xA100] =	vst v63  }
0x98: {  	_ =	swait.ge [sflag:s26], $0x2000  }
0x99: {  	[sflag:s26] =	ssyncset.done $0x0  }
0x9a: {  	[sflag:s26] =	ssyncadd.s32 $0xFFFFE000  }
0x9b: {  	_ =	swait.ge [sflag:s26], $0x2000  }
0x9c: {  	[sflag:s26] =	ssyncset.done $0x0  }
0x9d: {  	s29 =	sadd.s32 $0x1, s29;
	[sflag:s26] =	ssyncadd.s32 $0xFFFFE000  }
0x9e: {  	p0 =	sne.s32 s29, s13;
	_ =	swait.ge [sflag:s28], $0x2000  }
.Ltmp2:
0x9f: {  	[sflag:s28] =	ssyncset.done $0x0;
	(pc) =	sbr.rel @p0 .LBB2_1-.Ltmp2, $4  }
0xa0: {  	[sflag:s28] =	ssyncadd.s32 $0xFFFFE000  }
0xa1: {  	_ =	swait.ge [sflag:s28], $0x2000  }
0xa2: {  	[sflag:s28] =	ssyncset.done $0x0  }
0xa3: {  	[sflag:s28] =	ssyncadd.s32 $0xFFFFE000  }
0xa4: {  	_ =	sfence.sel $0x180000  }
0xa5: {  	[bflag:$0x0] =	sbarrier.arrive $0xFFFF  }
0xa6: {  	p0 =	sne.s32 s0, $0x0;
	_ =	strace $0x90000047  }
0xa7: {  	s0 =	sadd.s32 @!p0 $0x100000, s1;
	[bflag:$0x2] =	sbarrier.arrive $0xFFFF  }
0xa8: {  	[sflag:s0] =	ssyncadd.tile.s32 @!p0 $0x1;
	_ =	shalt  }
.Lfunc_end2:
_tile_overlayer_lowered:
.L_overlay_start_2:
0xa9: {  	(tag) =	ssettag $0x2  }
0xaa: {  	s0 =	rddreg [dreg:$0x0];
	s2 =	stileid.u32  }
0xab: {  	s1 =	rddreg [dreg:$0x1];
	p0 =	sne.s32 s2, $0x0  }
0xac: {  	s3 =	rddreg [dreg:$0x2];
	[bflag:$0x3] =	sbarrier.arrive $0xFFFF;
	s2 =	simm.s32 @!p0 $0x1C06  }
0xad: {  	[timem:s3], [sflag:s2] =	dma.local @!p0 [hbm:s0], s1  }
0xae: {  	s0 =	simm.s32 @!p0 $0x6  }
0xaf: {  	_ =	swait.ge @!p0 [sflag:s0], s1  }
0xb0: {  	s1 =	ssub.s32 @!p0 $0x0, s1;
	[sflag:s0] =	ssyncset.done @!p0 $0x0  }
0xb1: {  	[sflag:s0] =	ssyncadd.s32 @!p0 s1  }
0xb2: {  	[bflag:$0x3] =	sbarrier.arrive $0xFFFF  }
0xb3: {  	_ =	shalt  }

</sc_bundles>
